<compile_context>
chip_gen: v7x
topology: tpu7x:2x2x1
jax: 0.10.2.dev20260603
libtpu: 0.0.44.dev20260713+nightly
codegen_flags: <defaults>
</compile_context>

<pallas_src>
import functools

import jax
import jax.numpy as jnp
from jax import lax
from jax.experimental import pallas as pl
from jax.experimental.pallas import tpu as pltpu
from jax.experimental.pallas import tpu_sc as plsc

N = 32768
D = 256
D_HID = 512
D_OUT = 128
NUM_MOTIFS = 64

NC = 2
NS = 16
NW = NC * NS
L = 16
NJ = D // L

N_TC = 28672
N_SC = N - N_TC
ROWS_PER_W = N_SC // NW
CHUNK = 128
NCHUNK = ROWS_PER_W // CHUNK
GPC = CHUNK // L


def _sc_segment_sum(feats_hbm, smask_hbm, motif_hbm, out_hbm,
                    buf, smask_v, motif_v, acc, run, cur_m_ref, sem0):
    cid = lax.axis_index("c")
    sid = lax.axis_index("s")
    wid = sid * NC + cid
    base = N_TC + wid * ROWS_PER_W

    pltpu.async_copy(feats_hbm.at[pl.ds(base, CHUNK), :],
                     buf.at[pl.ds(0, CHUNK), :], sem0)
    pltpu.sync_copy(smask_hbm.at[pl.ds(base, ROWS_PER_W)],
                    smask_v.at[pl.ds(0, ROWS_PER_W)])
    pltpu.sync_copy(motif_hbm.at[pl.ds(base, ROWS_PER_W)],
                    motif_v.at[pl.ds(0, ROWS_PER_W)])

    zeros = jnp.zeros((L,), jnp.float32)
    for j in range(NJ):
        run[pl.ds(j * L, L)] = zeros

    def zero_row(i):
        for j in range(NJ):
            acc[i, pl.ds(j * L, L)] = zeros
    plsc.parallel_loop(0, NUM_MOTIFS)(zero_row)

    cur_m_ref[0] = motif_v[pl.ds(0, L)][0]

    def accumulate_rows(roff, goff, nrows):
        init = tuple(zeros for _ in range(NJ))

        def row_body(r, regs):
            sval = smask_v[pl.ds(goff + r, L)]
            s = sval[0]
            return tuple(
                regs[j] + buf[roff + r, pl.ds(j * L, L)] * s
                for j in range(NJ))

        regs = plsc.parallel_loop(0, nrows, carry=init)(row_body)
        for j in range(NJ):
            plsc.addupdate(run.at[pl.ds(j * L, L)], regs[j])

    def process_chunk(roff, coff):
        chunk_last = motif_v[pl.ds(coff + CHUNK - L, L)][L - 1]
        chunk_fast = chunk_last == cur_m_ref[0]

        @pl.when(chunk_fast)
        def _chunk_fast():
            accumulate_rows(roff, coff, CHUNK)

        @pl.when(jnp.logical_not(chunk_fast))
        def _chunk_slow():
            def group_body(g, gc):
                goff = coff + g * L
                mv = motif_v[pl.ds(goff, L)]
                group_fast = mv[L - 1] == cur_m_ref[0]

                @pl.when(group_fast)
                def _group_fast():
                    accumulate_rows(roff + g * L, goff, L)

                @pl.when(jnp.logical_not(group_fast))
                def _group_slow():
                    def row_slow(r, rc):
                        m = motif_v[pl.ds(goff + r, L)][0]
                        s = smask_v[pl.ds(goff + r, L)][0]
                        row = roff + g * L + r

                        @pl.when(m != cur_m_ref[0])
                        def _flush():
                            cm = cur_m_ref[0]
                            for j in range(NJ):
                                acc[cm, pl.ds(j * L, L)] = (
                                    run[pl.ds(j * L, L)])
                                run[pl.ds(j * L, L)] = zeros
                            cur_m_ref[0] = m

                        for j in range(NJ):
                            plsc.addupdate(
                                run.at[pl.ds(j * L, L)],
                                buf[row, pl.ds(j * L, L)] * s)
                        return rc
                    lax.fori_loop(0, L, row_slow, 0)
                return gc
            lax.fori_loop(0, GPC, group_body, 0)

    pltpu.make_async_copy(feats_hbm.at[pl.ds(base, CHUNK), :],
                          buf.at[pl.ds(0, CHUNK), :], sem0).wait()
    process_chunk(0, 0)

    cm = cur_m_ref[0]
    for j in range(NJ):
        acc[cm, pl.ds(j * L, L)] = run[pl.ds(j * L, L)]

    pltpu.sync_copy(acc, out_hbm.at[wid])


_sc_call = functools.partial(
    pl.kernel,
    mesh=plsc.VectorSubcoreMesh(core_axis_name="c", subcore_axis_name="s"),
    out_type=jax.ShapeDtypeStruct((NW, NUM_MOTIFS, D), jnp.float32),
    scratch_types=[
        pltpu.VMEM((CHUNK, D), jnp.float32),
        pltpu.VMEM((ROWS_PER_W + L,), jnp.float32),
        pltpu.VMEM((ROWS_PER_W + L,), jnp.int32),
        pltpu.VMEM((NUM_MOTIFS, D), jnp.float32),
        pltpu.VMEM((D,), jnp.float32),
        pltpu.SMEM((1,), jnp.int32),
        pltpu.SemaphoreType.DMA,
    ],
)(_sc_segment_sum)


TC_BLK = 7168


def _tc_onehot_partial(feats_ref, smask_ref, motif_ref, out_ref):
    i = pl.program_id(0)
    ids = lax.broadcasted_iota(jnp.int32, (NUM_MOTIFS, TC_BLK), 0)
    oh = jnp.where(ids == motif_ref[...][None, :],
                   smask_ref[...][None, :], 0.0)
    part = jnp.dot(oh, feats_ref[...], preferred_element_type=jnp.float32)

    @pl.when(i == 0)
    def _():
        out_ref[...] = part

    @pl.when(i > 0)
    def _():
        out_ref[...] += part


def _tc_readout(partials_ref, tc_part_ref, wf_ref, bf_ref, wo_ref, bo_ref,
                out_ref):
    seg = (jnp.sum(partials_ref[...], axis=0) + tc_part_ref[...])[1:]
    h = jnp.dot(seg, wf_ref[...], preferred_element_type=jnp.float32)
    h = h + bf_ref[...]
    o = jnp.dot(h, wo_ref[...], preferred_element_type=jnp.float32)
    out_ref[...] = o + bo_ref[...]


def kernel(node_feats, smask_full, motif_batch, W_feat, b_feat, W_out, b_out):
    partials = _sc_call(node_feats, smask_full, motif_batch)
    tc_part = pl.pallas_call(
        _tc_onehot_partial,
        grid=(N_TC // TC_BLK,),
        in_specs=[
            pl.BlockSpec((TC_BLK, D), lambda i: (i, 0)),
            pl.BlockSpec((TC_BLK,), lambda i: (i,)),
            pl.BlockSpec((TC_BLK,), lambda i: (i,)),
        ],
        out_specs=pl.BlockSpec((NUM_MOTIFS, D), lambda i: (0, 0)),
        out_shape=jax.ShapeDtypeStruct((NUM_MOTIFS, D), jnp.float32),
    )(node_feats, smask_full, motif_batch)
    return pl.pallas_call(
        _tc_readout,
        out_shape=jax.ShapeDtypeStruct((NUM_MOTIFS - 1, D_OUT), jnp.float32),
    )(partials, tc_part, W_feat, b_feat.reshape(1, D_HID), W_out,
      b_out.reshape(1, D_OUT))

# --- scband reference (transcript-rebuilt; emitter-appended) ---
"""Pipeline reference for scband-substructure-processor-60215441490194 (READ-ONLY COPY).

The authoritative reference and input builder live on the scoring server;
editing this copy changes nothing except your own understanding.
"""

import jax, jax.numpy as jnp
import numpy as np

N = 32768
D = 256
D_HID = 512
D_OUT = 128
NUM_MOTIFS = 64

def setup_inputs(seed: int = 0):
    key = jax.random.key(seed)
    ks = jax.random.split(key, 8)
    node_feats = jax.random.normal(ks[0], (N, D), dtype=jnp.float32)
    smask_full = jax.random.uniform(ks[1], (N,), dtype=jnp.float32)
    motif_batch = jnp.sort(jax.random.randint(ks[2], (N,), 0, NUM_MOTIFS))
    W_feat = jax.random.normal(ks[3], (D, D_HID), dtype=jnp.float32) * (1.0 / np.sqrt(D))
    b_feat = jnp.zeros((D_HID,), dtype=jnp.float32)
    W_out = jax.random.normal(ks[4], (D_HID, D_OUT), dtype=jnp.float32) * (1.0 / np.sqrt(D_HID))
    b_out = jnp.zeros((D_OUT,), dtype=jnp.float32)
    return {"node_feats": node_feats, "smask_full": smask_full, "motif_batch": motif_batch,
            "W_feat": W_feat, "b_feat": b_feat, "W_out": W_out, "b_out": b_out}

def reference(node_feats, smask_full, motif_batch, W_feat, b_feat, W_out, b_out):
    # readout: smask-weighted sum pooling over each motif subgraph.
    # The original loops over unique motif ids, builds a subgraph per motif, and
    # pools node feats weighted by smask. This is exactly a segment-sum of
    # (node_feats * smask) over motif_batch ids; motif 0 is skipped.
    smask_feats = smask_full[:, None]  # [N, 1], matches unsqueeze(dim=1).float()
    weighted = node_feats * smask_feats
    seg = jax.ops.segment_sum(weighted, motif_batch, num_segments=NUM_MOTIFS)
    h_subs = seg[1:]  # drop motif == 0 (background), shape [NUM_MOTIFS-1, D]
    feats_sub = h_subs @ W_feat + b_feat
    out_sub = feats_sub @ W_out + b_out
    return out_sub

if __name__ == "__main__":
    import jax
    _d = setup_inputs()
    print(jax.jit(kernel)(*tuple(_d.values())))

</pallas_src>

<mosaic_0001>
#map = affine_map<(d0, d1) -> (0, 0)>
#map1 = affine_map<(d0, d1) -> (0)>
#map2 = affine_map<(d0, d1) -> (0, 0, 0)>
module attributes {stable_mosaic.version = 14 : i64} {
  func.func @_sc_segment_sum(%arg0: i32, %arg1: i32, %arg2: memref<32768x256xf32, #tpu.memory_space<hbm>>, %arg3: memref<32768xf32, #tpu.memory_space<hbm>>, %arg4: memref<32768xi32, #tpu.memory_space<hbm>>, %arg5: memref<32x64x256xf32, #tpu.memory_space<hbm>>, %arg6: memref<128x256xf32, #tpu.memory_space<vmem>>, %arg7: memref<144xf32, #tpu.memory_space<vmem>>, %arg8: memref<144xi32, #tpu.memory_space<vmem>>, %arg9: memref<64x256xf32, #tpu.memory_space<vmem>>, %arg10: memref<256xf32, #tpu.memory_space<vmem>>, %arg11: memref<1xi32, #tpu.memory_space<smem>>, %arg12: memref<!tpu.dma_semaphore, #tpu.memory_space<semaphore_mem>>) attributes {dimension_semantics = [#tpu.dimension_semantics<core_parallel>, #tpu.dimension_semantics<subcore_parallel>], iteration_bounds = array<i64: 2, 16>, scalar_prefetch = 0 : i64, scratch_operands = 7 : i64, tpu.core_type = #tpu.core_type<sc_vector_subcore>, window_params = [{transform_indices = #map}, {transform_indices = #map1}, {transform_indices = #map1}, {transform_indices = #map2}]} {
    %mul3A = arith.constant 2 : i32
    %mul3A_0 = arith.muli %arg1, %mul3A : i32
    %add3A = arith.addi %mul3A_0, %arg0 : i32
    %mul3A_1 = arith.constant 128 : i32
    %mul3A_2 = arith.muli %add3A, %mul3A_1 : i32
    %add3A_3 = arith.constant 28672 : i32
    %add3A_4 = arith.addi %add3A_3, %mul3A_2 : i32
    %dma_start3A = arith.constant 0 : i32
    %dma_start3A_5 = arith.constant 0 : i32
    %dma_start3A_6 = tpu.memref_slice %arg6[%dma_start3A, %dma_start3A_5] : memref<128x256xf32, #tpu.memory_space<vmem>> -> memref<128x256xf32, #tpu.memory_space<vmem>>
    %dma_start3A_7 = arith.constant 0 : i32
    %dma_start3A_8 = tpu.memref_slice %arg2[%add3A_4, %dma_start3A_7] : memref<32768x256xf32, #tpu.memory_space<hbm>> -> memref<128x256xf32, #tpu.memory_space<hbm>>
    %dma_start3A_9 = arith.constant 0 : i32
    %dma_start3A_10 = arith.constant 0 : i32
    %dma_start3A_11 = tpu.memref_slice %arg6[%dma_start3A_9, %dma_start3A_10] : memref<128x256xf32, #tpu.memory_space<vmem>> -> memref<128x256xf32, #tpu.memory_space<vmem>>
    %dma_start3A_12 = arith.constant 0 : i32
    %dma_start3A_13 = tpu.memref_slice %arg2[%add3A_4, %dma_start3A_12] : memref<32768x256xf32, #tpu.memory_space<hbm>> -> memref<128x256xf32, #tpu.memory_space<hbm>>
    tpu.enqueue_dma source(%dma_start3A_13 : memref<128x256xf32, #tpu.memory_space<hbm>>) target(%dma_start3A_11 : memref<128x256xf32, #tpu.memory_space<vmem>>) target_semaphore(%arg12 : memref<!tpu.dma_semaphore, #tpu.memory_space<semaphore_mem>>)
    "tpu.region"() ({
      %run_scoped3A = tpu.sem_alloc : memref<!tpu.dma_semaphore, #tpu.memory_space<semaphore_mem>>
      %dma_start3A_238 = arith.constant 0 : i32
      %dma_start3A_239 = tpu.memref_slice %arg7[%dma_start3A_238] : memref<144xf32, #tpu.memory_space<vmem>> -> memref<128xf32, #tpu.memory_space<vmem>>
      %dma_start3A_240 = tpu.memref_slice %arg3[%add3A_4] : memref<32768xf32, #tpu.memory_space<hbm>> -> memref<128xf32, #tpu.memory_space<hbm>>
      %dma_start3A_241 = arith.constant 0 : i32
      %dma_start3A_242 = tpu.memref_slice %arg7[%dma_start3A_241] : memref<144xf32, #tpu.memory_space<vmem>> -> memref<128xf32, #tpu.memory_space<vmem>>
      %dma_start3A_243 = tpu.memref_slice %arg3[%add3A_4] : memref<32768xf32, #tpu.memory_space<hbm>> -> memref<128xf32, #tpu.memory_space<hbm>>
      tpu.enqueue_dma source(%dma_start3A_243 : memref<128xf32, #tpu.memory_space<hbm>>) target(%dma_start3A_242 : memref<128xf32, #tpu.memory_space<vmem>>) target_semaphore(%run_scoped3A : memref<!tpu.dma_semaphore, #tpu.memory_space<semaphore_mem>>)
      %dma_wait3A_244 = arith.constant 0 : i32
      %dma_wait3A_245 = tpu.memref_slice %arg7[%dma_wait3A_244] : memref<144xf32, #tpu.memory_space<vmem>> -> memref<128xf32, #tpu.memory_space<vmem>>
      %dma_wait3A_246 = tpu.memref_slice %arg3[%add3A_4] : memref<32768xf32, #tpu.memory_space<hbm>> -> memref<128xf32, #tpu.memory_space<hbm>>
      %dma_wait3A_247 = arith.constant 0 : i32
      %dma_wait3A_248 = tpu.memref_slice %arg7[%dma_wait3A_247] : memref<144xf32, #tpu.memory_space<vmem>> -> memref<128xf32, #tpu.memory_space<vmem>>
      %dma_wait3A_249 = tpu.memref_slice %arg3[%add3A_4] : memref<32768xf32, #tpu.memory_space<hbm>> -> memref<128xf32, #tpu.memory_space<hbm>>
      tpu.wait_dma2 semaphore(%run_scoped3A : memref<!tpu.dma_semaphore, #tpu.memory_space<semaphore_mem>>) src(%dma_wait3A_249 : memref<128xf32, #tpu.memory_space<hbm>>) dst(%dma_wait3A_248 : memref<128xf32, #tpu.memory_space<vmem>>)
      tpu.yield
    }) : () -> ()
    "tpu.region"() ({
      %run_scoped3A = tpu.sem_alloc : memref<!tpu.dma_semaphore, #tpu.memory_space<semaphore_mem>>
      %dma_start3A_238 = arith.constant 0 : i32
      %dma_start3A_239 = tpu.memref_slice %arg8[%dma_start3A_238] : memref<144xi32, #tpu.memory_space<vmem>> -> memref<128xi32, #tpu.memory_space<vmem>>
      %dma_start3A_240 = tpu.memref_slice %arg4[%add3A_4] : memref<32768xi32, #tpu.memory_space<hbm>> -> memref<128xi32, #tpu.memory_space<hbm>>
      %dma_start3A_241 = arith.constant 0 : i32
      %dma_start3A_242 = tpu.memref_slice %arg8[%dma_start3A_241] : memref<144xi32, #tpu.memory_space<vmem>> -> memref<128xi32, #tpu.memory_space<vmem>>
      %dma_start3A_243 = tpu.memref_slice %arg4[%add3A_4] : memref<32768xi32, #tpu.memory_space<hbm>> -> memref<128xi32, #tpu.memory_space<hbm>>
      tpu.enqueue_dma source(%dma_start3A_243 : memref<128xi32, #tpu.memory_space<hbm>>) target(%dma_start3A_242 : memref<128xi32, #tpu.memory_space<vmem>>) target_semaphore(%run_scoped3A : memref<!tpu.dma_semaphore, #tpu.memory_space<semaphore_mem>>)
      %dma_wait3A_244 = arith.constant 0 : i32
      %dma_wait3A_245 = tpu.memref_slice %arg8[%dma_wait3A_244] : memref<144xi32, #tpu.memory_space<vmem>> -> memref<128xi32, #tpu.memory_space<vmem>>
      %dma_wait3A_246 = tpu.memref_slice %arg4[%add3A_4] : memref<32768xi32, #tpu.memory_space<hbm>> -> memref<128xi32, #tpu.memory_space<hbm>>
      %dma_wait3A_247 = arith.constant 0 : i32
      %dma_wait3A_248 = tpu.memref_slice %arg8[%dma_wait3A_247] : memref<144xi32, #tpu.memory_space<vmem>> -> memref<128xi32, #tpu.memory_space<vmem>>
      %dma_wait3A_249 = tpu.memref_slice %arg4[%add3A_4] : memref<32768xi32, #tpu.memory_space<hbm>> -> memref<128xi32, #tpu.memory_space<hbm>>
      tpu.wait_dma2 semaphore(%run_scoped3A : memref<!tpu.dma_semaphore, #tpu.memory_space<semaphore_mem>>) src(%dma_wait3A_249 : memref<128xi32, #tpu.memory_space<hbm>>) dst(%dma_wait3A_248 : memref<128xi32, #tpu.memory_space<vmem>>)
      tpu.yield
    }) : () -> ()
    %broadcast_in_dim3A = arith.constant 0.000000e+00 : f32
    %broadcast_in_dim3A_14 = vector.broadcast %broadcast_in_dim3A : f32 to vector<16xf32>
    %swap3A = arith.constant 0 : index
    %swap3A_15 = tpu.vector_load %arg10[%swap3A] {strides = array<i32>} : memref<256xf32, #tpu.memory_space<vmem>>, vector<16xf32>,
    %swap3A_16 = vector.shape_cast %swap3A_15 : vector<16xf32> to vector<16xf32>
    %swap3A_17 = vector.shape_cast %broadcast_in_dim3A_14 : vector<16xf32> to vector<16xf32>
    tpu.vector_store %arg10[%swap3A], %swap3A_17 {strides = array<i32>} : memref<256xf32, #tpu.memory_space<vmem>>, vector<16xf32>,
    %swap3A_18 = arith.constant 16 : index
    %swap3A_19 = tpu.vector_load %arg10[%swap3A_18] {strides = array<i32>} : memref<256xf32, #tpu.memory_space<vmem>>, vector<16xf32>,
    %swap3A_20 = vector.shape_cast %swap3A_19 : vector<16xf32> to vector<16xf32>
    %swap3A_21 = vector.shape_cast %broadcast_in_dim3A_14 : vector<16xf32> to vector<16xf32>
    tpu.vector_store %arg10[%swap3A_18], %swap3A_21 {strides = array<i32>} : memref<256xf32, #tpu.memory_space<vmem>>, vector<16xf32>,
    %swap3A_22 = arith.constant 32 : index
    %swap3A_23 = tpu.vector_load %arg10[%swap3A_22] {strides = array<i32>} : memref<256xf32, #tpu.memory_space<vmem>>, vector<16xf32>,
    %swap3A_24 = vector.shape_cast %swap3A_23 : vector<16xf32> to vector<16xf32>
    %swap3A_25 = vector.shape_cast %broadcast_in_dim3A_14 : vector<16xf32> to vector<16xf32>
    tpu.vector_store %arg10[%swap3A_22], %swap3A_25 {strides = array<i32>} : memref<256xf32, #tpu.memory_space<vmem>>, vector<16xf32>,
    %swap3A_26 = arith.constant 48 : index
    %swap3A_27 = tpu.vector_load %arg10[%swap3A_26] {strides = array<i32>} : memref<256xf32, #tpu.memory_space<vmem>>, vector<16xf32>,
    %swap3A_28 = vector.shape_cast %swap3A_27 : vector<16xf32> to vector<16xf32>
    %swap3A_29 = vector.shape_cast %broadcast_in_dim3A_14 : vector<16xf32> to vector<16xf32>
    tpu.vector_store %arg10[%swap3A_26], %swap3A_29 {strides = array<i32>} : memref<256xf32, #tpu.memory_space<vmem>>, vector<16xf32>,
    %swap3A_30 = arith.constant 64 : index
    %swap3A_31 = tpu.vector_load %arg10[%swap3A_30] {strides = array<i32>} : memref<256xf32, #tpu.memory_space<vmem>>, vector<16xf32>,
    %swap3A_32 = vector.shape_cast %swap3A_31 : vector<16xf32> to vector<16xf32>
    %swap3A_33 = vector.shape_cast %broadcast_in_dim3A_14 : vector<16xf32> to vector<16xf32>
    tpu.vector_store %arg10[%swap3A_30], %swap3A_33 {strides = array<i32>} : memref<256xf32, #tpu.memory_space<vmem>>, vector<16xf32>,
    %swap3A_34 = arith.constant 80 : index
    %swap3A_35 = tpu.vector_load %arg10[%swap3A_34] {strides = array<i32>} : memref<256xf32, #tpu.memory_space<vmem>>, vector<16xf32>,
    %swap3A_36 = vector.shape_cast %swap3A_35 : vector<16xf32> to vector<16xf32>
    %swap3A_37 = vector.shape_cast %broadcast_in_dim3A_14 : vector<16xf32> to vector<16xf32>
    tpu.vector_store %arg10[%swap3A_34], %swap3A_37 {strides = array<i32>} : memref<256xf32, #tpu.memory_space<vmem>>, vector<16xf32>,
    %swap3A_38 = arith.constant 96 : index
    %swap3A_39 = tpu.vector_load %arg10[%swap3A_38] {strides = array<i32>} : memref<256xf32, #tpu.memory_space<vmem>>, vector<16xf32>,
    %swap3A_40 = vector.shape_cast %swap3A_39 : vector<16xf32> to vector<16xf32>
    %swap3A_41 = vector.shape_cast %broadcast_in_dim3A_14 : vector<16xf32> to vector<16xf32>
    tpu.vector_store %arg10[%swap3A_38], %swap3A_41 {strides = array<i32>} : memref<256xf32, #tpu.memory_space<vmem>>, vector<16xf32>,
    %swap3A_42 = arith.constant 112 : index
    %swap3A_43 = tpu.vector_load %arg10[%swap3A_42] {strides = array<i32>} : memref<256xf32, #tpu.memory_space<vmem>>, vector<16xf32>,
    %swap3A_44 = vector.shape_cast %swap3A_43 : vector<16xf32> to vector<16xf32>
    %swap3A_45 = vector.shape_cast %broadcast_in_dim3A_14 : vector<16xf32> to vector<16xf32>
    tpu.vector_store %arg10[%swap3A_42], %swap3A_45 {strides = array<i32>} : memref<256xf32, #tpu.memory_space<vmem>>, vector<16xf32>,
    %swap3A_46 = arith.constant 128 : index
    %swap3A_47 = tpu.vector_load %arg10[%swap3A_46] {strides = array<i32>} : memref<256xf32, #tpu.memory_space<vmem>>, vector<16xf32>,
    %swap3A_48 = vector.shape_cast %swap3A_47 : vector<16xf32> to vector<16xf32>
    %swap3A_49 = vector.shape_cast %broadcast_in_dim3A_14 : vector<16xf32> to vector<16xf32>
    tpu.vector_store %arg10[%swap3A_46], %swap3A_49 {strides = array<i32>} : memref<256xf32, #tpu.memory_space<vmem>>, vector<16xf32>,
    %swap3A_50 = arith.constant 144 : index
    %swap3A_51 = tpu.vector_load %arg10[%swap3A_50] {strides = array<i32>} : memref<256xf32, #tpu.memory_space<vmem>>, vector<16xf32>,
    %swap3A_52 = vector.shape_cast %swap3A_51 : vector<16xf32> to vector<16xf32>
    %swap3A_53 = vector.shape_cast %broadcast_in_dim3A_14 : vector<16xf32> to vector<16xf32>
    tpu.vector_store %arg10[%swap3A_50], %swap3A_53 {strides = array<i32>} : memref<256xf32, #tpu.memory_space<vmem>>, vector<16xf32>,
    %swap3A_54 = arith.constant 160 : index
    %swap3A_55 = tpu.vector_load %arg10[%swap3A_54] {strides = array<i32>} : memref<256xf32, #tpu.memory_space<vmem>>, vector<16xf32>,
    %swap3A_56 = vector.shape_cast %swap3A_55 : vector<16xf32> to vector<16xf32>
    %swap3A_57 = vector.shape_cast %broadcast_in_dim3A_14 : vector<16xf32> to vector<16xf32>
    tpu.vector_store %arg10[%swap3A_54], %swap3A_57 {strides = array<i32>} : memref<256xf32, #tpu.memory_space<vmem>>, vector<16xf32>,
    %swap3A_58 = arith.constant 176 : index
    %swap3A_59 = tpu.vector_load %arg10[%swap3A_58] {strides = array<i32>} : memref<256xf32, #tpu.memory_space<vmem>>, vector<16xf32>,
    %swap3A_60 = vector.shape_cast %swap3A_59 : vector<16xf32> to vector<16xf32>
    %swap3A_61 = vector.shape_cast %broadcast_in_dim3A_14 : vector<16xf32> to vector<16xf32>
    tpu.vector_store %arg10[%swap3A_58], %swap3A_61 {strides = array<i32>} : memref<256xf32, #tpu.memory_space<vmem>>, vector<16xf32>,
    %swap3A_62 = arith.constant 192 : index
    %swap3A_63 = tpu.vector_load %arg10[%swap3A_62] {strides = array<i32>} : memref<256xf32, #tpu.memory_space<vmem>>, vector<16xf32>,
    %swap3A_64 = vector.shape_cast %swap3A_63 : vector<16xf32> to vector<16xf32>
    %swap3A_65 = vector.shape_cast %broadcast_in_dim3A_14 : vector<16xf32> to vector<16xf32>
    tpu.vector_store %arg10[%swap3A_62], %swap3A_65 {strides = array<i32>} : memref<256xf32, #tpu.memory_space<vmem>>, vector<16xf32>,
    %swap3A_66 = arith.constant 208 : index
    %swap3A_67 = tpu.vector_load %arg10[%swap3A_66] {strides = array<i32>} : memref<256xf32, #tpu.memory_space<vmem>>, vector<16xf32>,
    %swap3A_68 = vector.shape_cast %swap3A_67 : vector<16xf32> to vector<16xf32>
    %swap3A_69 = vector.shape_cast %broadcast_in_dim3A_14 : vector<16xf32> to vector<16xf32>
    tpu.vector_store %arg10[%swap3A_66], %swap3A_69 {strides = array<i32>} : memref<256xf32, #tpu.memory_space<vmem>>, vector<16xf32>,
    %swap3A_70 = arith.constant 224 : index
    %swap3A_71 = tpu.vector_load %arg10[%swap3A_70] {strides = array<i32>} : memref<256xf32, #tpu.memory_space<vmem>>, vector<16xf32>,
    %swap3A_72 = vector.shape_cast %swap3A_71 : vector<16xf32> to vector<16xf32>
    %swap3A_73 = vector.shape_cast %broadcast_in_dim3A_14 : vector<16xf32> to vector<16xf32>
    tpu.vector_store %arg10[%swap3A_70], %swap3A_73 {strides = array<i32>} : memref<256xf32, #tpu.memory_space<vmem>>, vector<16xf32>,
    %swap3A_74 = arith.constant 240 : index
    %swap3A_75 = tpu.vector_load %arg10[%swap3A_74] {strides = array<i32>} : memref<256xf32, #tpu.memory_space<vmem>>, vector<16xf32>,
    %swap3A_76 = vector.shape_cast %swap3A_75 : vector<16xf32> to vector<16xf32>
    %swap3A_77 = vector.shape_cast %broadcast_in_dim3A_14 : vector<16xf32> to vector<16xf32>
    tpu.vector_store %arg10[%swap3A_74], %swap3A_77 {strides = array<i32>} : memref<256xf32, #tpu.memory_space<vmem>>, vector<16xf32>,
    %parallel_loop3A = arith.constant 0 : i32
    %parallel_loop3A_78 = arith.constant 64 : i32
    %parallel_loop3A_79 = arith.constant 1 : i32
    scf.for %parallel_loop3A_238 = %parallel_loop3A to %parallel_loop3A_78 step %parallel_loop3A_79  : i32 {
      %parallel_loop3A_239 = arith.index_cast %parallel_loop3A_238 : i32 to index
      %parallel_loop3A_240 = arith.constant 0 : index
      %parallel_loop3A_241 = tpu.vector_load %arg9[%parallel_loop3A_239, %parallel_loop3A_240] {strides = array<i32>} : memref<64x256xf32, #tpu.memory_space<vmem>>, vector<1x16xf32>,
      %parallel_loop3A_242 = vector.shape_cast %parallel_loop3A_241 : vector<1x16xf32> to vector<16xf32>
      %parallel_loop3A_243 = vector.shape_cast %broadcast_in_dim3A_14 : vector<16xf32> to vector<1x16xf32>
      tpu.vector_store %arg9[%parallel_loop3A_239, %parallel_loop3A_240], %parallel_loop3A_243 {strides = array<i32>} : memref<64x256xf32, #tpu.memory_space<vmem>>, vector<1x16xf32>,
      %parallel_loop3A_244 = arith.index_cast %parallel_loop3A_238 : i32 to index
      %parallel_loop3A_245 = arith.constant 16 : index
      %parallel_loop3A_246 = tpu.vector_load %arg9[%parallel_loop3A_244, %parallel_loop3A_245] {strides = array<i32>} : memref<64x256xf32, #tpu.memory_space<vmem>>, vector<1x16xf32>,
      %parallel_loop3A_247 = vector.shape_cast %parallel_loop3A_246 : vector<1x16xf32> to vector<16xf32>
      %parallel_loop3A_248 = vector.shape_cast %broadcast_in_dim3A_14 : vector<16xf32> to vector<1x16xf32>
      tpu.vector_store %arg9[%parallel_loop3A_244, %parallel_loop3A_245], %parallel_loop3A_248 {strides = array<i32>} : memref<64x256xf32, #tpu.memory_space<vmem>>, vector<1x16xf32>,
      %parallel_loop3A_249 = arith.index_cast %parallel_loop3A_238 : i32 to index
      %parallel_loop3A_250 = arith.constant 32 : index
      %parallel_loop3A_251 = tpu.vector_load %arg9[%parallel_loop3A_249, %parallel_loop3A_250] {strides = array<i32>} : memref<64x256xf32, #tpu.memory_space<vmem>>, vector<1x16xf32>,
      %parallel_loop3A_252 = vector.shape_cast %parallel_loop3A_251 : vector<1x16xf32> to vector<16xf32>
      %parallel_loop3A_253 = vector.shape_cast %broadcast_in_dim3A_14 : vector<16xf32> to vector<1x16xf32>
      tpu.vector_store %arg9[%parallel_loop3A_249, %parallel_loop3A_250], %parallel_loop3A_253 {strides = array<i32>} : memref<64x256xf32, #tpu.memory_space<vmem>>, vector<1x16xf32>,
      %parallel_loop3A_254 = arith.index_cast %parallel_loop3A_238 : i32 to index
      %parallel_loop3A_255 = arith.constant 48 : index
      %parallel_loop3A_256 = tpu.vector_load %arg9[%parallel_loop3A_254, %parallel_loop3A_255] {strides = array<i32>} : memref<64x256xf32, #tpu.memory_space<vmem>>, vector<1x16xf32>,
      %parallel_loop3A_257 = vector.shape_cast %parallel_loop3A_256 : vector<1x16xf32> to vector<16xf32>
      %parallel_loop3A_258 = vector.shape_cast %broadcast_in_dim3A_14 : vector<16xf32> to vector<1x16xf32>
      tpu.vector_store %arg9[%parallel_loop3A_254, %parallel_loop3A_255], %parallel_loop3A_258 {strides = array<i32>} : memref<64x256xf32, #tpu.memory_space<vmem>>, vector<1x16xf32>,
      %parallel_loop3A_259 = arith.index_cast %parallel_loop3A_238 : i32 to index
      %parallel_loop3A_260 = arith.constant 64 : index
      %parallel_loop3A_261 = tpu.vector_load %arg9[%parallel_loop3A_259, %parallel_loop3A_260] {strides = array<i32>} : memref<64x256xf32, #tpu.memory_space<vmem>>, vector<1x16xf32>,
      %parallel_loop3A_262 = vector.shape_cast %parallel_loop3A_261 : vector<1x16xf32> to vector<16xf32>
      %parallel_loop3A_263 = vector.shape_cast %broadcast_in_dim3A_14 : vector<16xf32> to vector<1x16xf32>
      tpu.vector_store %arg9[%parallel_loop3A_259, %parallel_loop3A_260], %parallel_loop3A_263 {strides = array<i32>} : memref<64x256xf32, #tpu.memory_space<vmem>>, vector<1x16xf32>,
      %parallel_loop3A_264 = arith.index_cast %parallel_loop3A_238 : i32 to index
      %parallel_loop3A_265 = arith.constant 80 : index
      %parallel_loop3A_266 = tpu.vector_load %arg9[%parallel_loop3A_264, %parallel_loop3A_265] {strides = array<i32>} : memref<64x256xf32, #tpu.memory_space<vmem>>, vector<1x16xf32>,
      %parallel_loop3A_267 = vector.shape_cast %parallel_loop3A_266 : vector<1x16xf32> to vector<16xf32>
      %parallel_loop3A_268 = vector.shape_cast %broadcast_in_dim3A_14 : vector<16xf32> to vector<1x16xf32>
      tpu.vector_store %arg9[%parallel_loop3A_264, %parallel_loop3A_265], %parallel_loop3A_268 {strides = array<i32>} : memref<64x256xf32, #tpu.memory_space<vmem>>, vector<1x16xf32>,
      %parallel_loop3A_269 = arith.index_cast %parallel_loop3A_238 : i32 to index
      %parallel_loop3A_270 = arith.constant 96 : index
      %parallel_loop3A_271 = tpu.vector_load %arg9[%parallel_loop3A_269, %parallel_loop3A_270] {strides = array<i32>} : memref<64x256xf32, #tpu.memory_space<vmem>>, vector<1x16xf32>,
      %parallel_loop3A_272 = vector.shape_cast %parallel_loop3A_271 : vector<1x16xf32> to vector<16xf32>
      %parallel_loop3A_273 = vector.shape_cast %broadcast_in_dim3A_14 : vector<16xf32> to vector<1x16xf32>
      tpu.vector_store %arg9[%parallel_loop3A_269, %parallel_loop3A_270], %parallel_loop3A_273 {strides = array<i32>} : memref<64x256xf32, #tpu.memory_space<vmem>>, vector<1x16xf32>,
      %parallel_loop3A_274 = arith.index_cast %parallel_loop3A_238 : i32 to index
      %parallel_loop3A_275 = arith.constant 112 : index
      %parallel_loop3A_276 = tpu.vector_load %arg9[%parallel_loop3A_274, %parallel_loop3A_275] {strides = array<i32>} : memref<64x256xf32, #tpu.memory_space<vmem>>, vector<1x16xf32>,
      %parallel_loop3A_277 = vector.shape_cast %parallel_loop3A_276 : vector<1x16xf32> to vector<16xf32>
      %parallel_loop3A_278 = vector.shape_cast %broadcast_in_dim3A_14 : vector<16xf32> to vector<1x16xf32>
      tpu.vector_store %arg9[%parallel_loop3A_274, %parallel_loop3A_275], %parallel_loop3A_278 {strides = array<i32>} : memref<64x256xf32, #tpu.memory_space<vmem>>, vector<1x16xf32>,
      %parallel_loop3A_279 = arith.index_cast %parallel_loop3A_238 : i32 to index
      %parallel_loop3A_280 = arith.constant 128 : index
      %parallel_loop3A_281 = tpu.vector_load %arg9[%parallel_loop3A_279, %parallel_loop3A_280] {strides = array<i32>} : memref<64x256xf32, #tpu.memory_space<vmem>>, vector<1x16xf32>,
      %parallel_loop3A_282 = vector.shape_cast %parallel_loop3A_281 : vector<1x16xf32> to vector<16xf32>
      %parallel_loop3A_283 = vector.shape_cast %broadcast_in_dim3A_14 : vector<16xf32> to vector<1x16xf32>
      tpu.vector_store %arg9[%parallel_loop3A_279, %parallel_loop3A_280], %parallel_loop3A_283 {strides = array<i32>} : memref<64x256xf32, #tpu.memory_space<vmem>>, vector<1x16xf32>,
      %parallel_loop3A_284 = arith.index_cast %parallel_loop3A_238 : i32 to index
      %parallel_loop3A_285 = arith.constant 144 : index
      %parallel_loop3A_286 = tpu.vector_load %arg9[%parallel_loop3A_284, %parallel_loop3A_285] {strides = array<i32>} : memref<64x256xf32, #tpu.memory_space<vmem>>, vector<1x16xf32>,
      %parallel_loop3A_287 = vector.shape_cast %parallel_loop3A_286 : vector<1x16xf32> to vector<16xf32>
      %parallel_loop3A_288 = vector.shape_cast %broadcast_in_dim3A_14 : vector<16xf32> to vector<1x16xf32>
      tpu.vector_store %arg9[%parallel_loop3A_284, %parallel_loop3A_285], %parallel_loop3A_288 {strides = array<i32>} : memref<64x256xf32, #tpu.memory_space<vmem>>, vector<1x16xf32>,
      %parallel_loop3A_289 = arith.index_cast %parallel_loop3A_238 : i32 to index
      %parallel_loop3A_290 = arith.constant 160 : index
      %parallel_loop3A_291 = tpu.vector_load %arg9[%parallel_loop3A_289, %parallel_loop3A_290] {strides = array<i32>} : memref<64x256xf32, #tpu.memory_space<vmem>>, vector<1x16xf32>,
      %parallel_loop3A_292 = vector.shape_cast %parallel_loop3A_291 : vector<1x16xf32> to vector<16xf32>
      %parallel_loop3A_293 = vector.shape_cast %broadcast_in_dim3A_14 : vector<16xf32> to vector<1x16xf32>
      tpu.vector_store %arg9[%parallel_loop3A_289, %parallel_loop3A_290], %parallel_loop3A_293 {strides = array<i32>} : memref<64x256xf32, #tpu.memory_space<vmem>>, vector<1x16xf32>,
      %parallel_loop3A_294 = arith.index_cast %parallel_loop3A_238 : i32 to index
      %parallel_loop3A_295 = arith.constant 176 : index
      %parallel_loop3A_296 = tpu.vector_load %arg9[%parallel_loop3A_294, %parallel_loop3A_295] {strides = array<i32>} : memref<64x256xf32, #tpu.memory_space<vmem>>, vector<1x16xf32>,
      %parallel_loop3A_297 = vector.shape_cast %parallel_loop3A_296 : vector<1x16xf32> to vector<16xf32>
      %parallel_loop3A_298 = vector.shape_cast %broadcast_in_dim3A_14 : vector<16xf32> to vector<1x16xf32>
      tpu.vector_store %arg9[%parallel_loop3A_294, %parallel_loop3A_295], %parallel_loop3A_298 {strides = array<i32>} : memref<64x256xf32, #tpu.memory_space<vmem>>, vector<1x16xf32>,
      %parallel_loop3A_299 = arith.index_cast %parallel_loop3A_238 : i32 to index
      %parallel_loop3A_300 = arith.constant 192 : index
      %parallel_loop3A_301 = tpu.vector_load %arg9[%parallel_loop3A_299, %parallel_loop3A_300] {strides = array<i32>} : memref<64x256xf32, #tpu.memory_space<vmem>>, vector<1x16xf32>,
      %parallel_loop3A_302 = vector.shape_cast %parallel_loop3A_301 : vector<1x16xf32> to vector<16xf32>
      %parallel_loop3A_303 = vector.shape_cast %broadcast_in_dim3A_14 : vector<16xf32> to vector<1x16xf32>
      tpu.vector_store %arg9[%parallel_loop3A_299, %parallel_loop3A_300], %parallel_loop3A_303 {strides = array<i32>} : memref<64x256xf32, #tpu.memory_space<vmem>>, vector<1x16xf32>,
      %parallel_loop3A_304 = arith.index_cast %parallel_loop3A_238 : i32 to index
      %parallel_loop3A_305 = arith.constant 208 : index
      %parallel_loop3A_306 = tpu.vector_load %arg9[%parallel_loop3A_304, %parallel_loop3A_305] {strides = array<i32>} : memref<64x256xf32, #tpu.memory_space<vmem>>, vector<1x16xf32>,
      %parallel_loop3A_307 = vector.shape_cast %parallel_loop3A_306 : vector<1x16xf32> to vector<16xf32>
      %parallel_loop3A_308 = vector.shape_cast %broadcast_in_dim3A_14 : vector<16xf32> to vector<1x16xf32>
      tpu.vector_store %arg9[%parallel_loop3A_304, %parallel_loop3A_305], %parallel_loop3A_308 {strides = array<i32>} : memref<64x256xf32, #tpu.memory_space<vmem>>, vector<1x16xf32>,
      %parallel_loop3A_309 = arith.index_cast %parallel_loop3A_238 : i32 to index
      %parallel_loop3A_310 = arith.constant 224 : index
      %parallel_loop3A_311 = tpu.vector_load %arg9[%parallel_loop3A_309, %parallel_loop3A_310] {strides = array<i32>} : memref<64x256xf32, #tpu.memory_space<vmem>>, vector<1x16xf32>,
      %parallel_loop3A_312 = vector.shape_cast %parallel_loop3A_311 : vector<1x16xf32> to vector<16xf32>
      %parallel_loop3A_313 = vector.shape_cast %broadcast_in_dim3A_14 : vector<16xf32> to vector<1x16xf32>
      tpu.vector_store %arg9[%parallel_loop3A_309, %parallel_loop3A_310], %parallel_loop3A_313 {strides = array<i32>} : memref<64x256xf32, #tpu.memory_space<vmem>>, vector<1x16xf32>,
      %parallel_loop3A_314 = arith.index_cast %parallel_loop3A_238 : i32 to index
      %parallel_loop3A_315 = arith.constant 240 : index
      %parallel_loop3A_316 = tpu.vector_load %arg9[%parallel_loop3A_314, %parallel_loop3A_315] {strides = array<i32>} : memref<64x256xf32, #tpu.memory_space<vmem>>, vector<1x16xf32>,
      %parallel_loop3A_317 = vector.shape_cast %parallel_loop3A_316 : vector<1x16xf32> to vector<16xf32>
      %parallel_loop3A_318 = vector.shape_cast %broadcast_in_dim3A_14 : vector<16xf32> to vector<1x16xf32>
      tpu.vector_store %arg9[%parallel_loop3A_314, %parallel_loop3A_315], %parallel_loop3A_318 {strides = array<i32>} : memref<64x256xf32, #tpu.memory_space<vmem>>, vector<1x16xf32>,
    } {sc.loop_unroll_factor = 1 : i64, sc.parallel_access}
    %get3A = arith.constant 0 : index
    %get3A_80 = tpu.vector_load %arg8[%get3A] {strides = array<i32>} : memref<144xi32, #tpu.memory_space<vmem>>, vector<16xi32>,
    %get3A_81 = vector.shape_cast %get3A_80 : vector<16xi32> to vector<16xi32>
    %slice3A = vector.extract_strided_slice %get3A_81 {offsets = [0], sizes = [1], strides = [1]} : vector<16xi32> to vector<1xi32>
    %squeeze3A = vector.extract %slice3A[0] : i32 from vector<1xi32>
    %swap3A_82 = arith.constant 0 : i32
    %swap3A_83 = arith.index_cast %swap3A_82 : i32 to index
    %swap3A_84 = memref.load %arg11[%swap3A_83] : memref<1xi32, #tpu.memory_space<smem>>
    memref.store %squeeze3A, %arg11[%swap3A_83] : memref<1xi32, #tpu.memory_space<smem>>
    %dma_wait3A = arith.constant 0 : i32
    %dma_wait3A_85 = arith.constant 0 : i32
    %dma_wait3A_86 = tpu.memref_slice %arg6[%dma_wait3A, %dma_wait3A_85] : memref<128x256xf32, #tpu.memory_space<vmem>> -> memref<128x256xf32, #tpu.memory_space<vmem>>
    %dma_wait3A_87 = arith.constant 0 : i32
    %dma_wait3A_88 = tpu.memref_slice %arg2[%add3A_4, %dma_wait3A_87] : memref<32768x256xf32, #tpu.memory_space<hbm>> -> memref<128x256xf32, #tpu.memory_space<hbm>>
    %dma_wait3A_89 = arith.constant 0 : i32
    %dma_wait3A_90 = arith.constant 0 : i32
    %dma_wait3A_91 = tpu.memref_slice %arg6[%dma_wait3A_89, %dma_wait3A_90] : memref<128x256xf32, #tpu.memory_space<vmem>> -> memref<128x256xf32, #tpu.memory_space<vmem>>
    %dma_wait3A_92 = arith.constant 0 : i32
    %dma_wait3A_93 = tpu.memref_slice %arg2[%add3A_4, %dma_wait3A_92] : memref<32768x256xf32, #tpu.memory_space<hbm>> -> memref<128x256xf32, #tpu.memory_space<hbm>>
    tpu.wait_dma2 semaphore(%arg12 : memref<!tpu.dma_semaphore, #tpu.memory_space<semaphore_mem>>) src(%dma_wait3A_93 : memref<128x256xf32, #tpu.memory_space<hbm>>) dst(%dma_wait3A_91 : memref<128x256xf32, #tpu.memory_space<vmem>>)
    %get3A_94 = arith.constant 112 : index
    %get3A_95 = tpu.vector_load %arg8[%get3A_94] {strides = array<i32>} : memref<144xi32, #tpu.memory_space<vmem>>, vector<16xi32>,
    %get3A_96 = vector.shape_cast %get3A_95 : vector<16xi32> to vector<16xi32>
    %slice3A_97 = vector.extract_strided_slice %get3A_96 {offsets = [15], sizes = [1], strides = [1]} : vector<16xi32> to vector<1xi32>
    %squeeze3A_98 = vector.extract %slice3A_97[0] : i32 from vector<1xi32>
    %get3A_99 = arith.constant 0 : i32
    %get3A_100 = arith.index_cast %get3A_99 : i32 to index
    %get3A_101 = memref.load %arg11[%get3A_100] : memref<1xi32, #tpu.memory_space<smem>>
    %eq3A = arith.cmpi eq, %squeeze3A_98, %get3A_101 : i32
    %convert_element_type3A = arith.extui %eq3A : i1 to i32
    %cond3A = arith.constant 0 : i32
    %cond3A_102 = arith.cmpi ne, %convert_element_type3A, %cond3A : i32
    scf.if %cond3A_102 {
      %parallel_loop3A_238 = arith.constant 0 : i32
      %parallel_loop3A_239 = arith.constant 128 : i32
      %parallel_loop3A_240 = arith.constant 1 : i32
      %parallel_loop3A_241:16 = scf.for %parallel_loop3A_306 = %parallel_loop3A_238 to %parallel_loop3A_239 step %parallel_loop3A_240 iter_args(%parallel_loop3A_307 = %broadcast_in_dim3A_14, %parallel_loop3A_308 = %broadcast_in_dim3A_14, %parallel_loop3A_309 = %broadcast_in_dim3A_14, %parallel_loop3A_310 = %broadcast_in_dim3A_14, %parallel_loop3A_311 = %broadcast_in_dim3A_14, %parallel_loop3A_312 = %broadcast_in_dim3A_14, %parallel_loop3A_313 = %broadcast_in_dim3A_14, %parallel_loop3A_314 = %broadcast_in_dim3A_14, %parallel_loop3A_315 = %broadcast_in_dim3A_14, %parallel_loop3A_316 = %broadcast_in_dim3A_14, %parallel_loop3A_317 = %broadcast_in_dim3A_14, %parallel_loop3A_318 = %broadcast_in_dim3A_14, %parallel_loop3A_319 = %broadcast_in_dim3A_14, %parallel_loop3A_320 = %broadcast_in_dim3A_14, %parallel_loop3A_321 = %broadcast_in_dim3A_14, %parallel_loop3A_322 = %broadcast_in_dim3A_14) -> (vector<16xf32>, vector<16xf32>, vector<16xf32>, vector<16xf32>, vector<16xf32>, vector<16xf32>, vector<16xf32>, vector<16xf32>, vector<16xf32>, vector<16xf32>, vector<16xf32>, vector<16xf32>, vector<16xf32>, vector<16xf32>, vector<16xf32>, vector<16xf32>)  : i32 {
        %parallel_loop3A_323 = arith.constant 0 : i32
        %parallel_loop3A_324 = arith.addi %parallel_loop3A_323, %parallel_loop3A_306 : i32
        %parallel_loop3A_325 = arith.index_cast %parallel_loop3A_324 : i32 to index
        %parallel_loop3A_326 = tpu.vector_load %arg7[%parallel_loop3A_325] {strides = array<i32>} : memref<144xf32, #tpu.memory_space<vmem>>, vector<16xf32>,
        %parallel_loop3A_327 = vector.shape_cast %parallel_loop3A_326 : vector<16xf32> to vector<16xf32>
        %parallel_loop3A_328 = vector.extract_strided_slice %parallel_loop3A_327 {offsets = [0], sizes = [1], strides = [1]} : vector<16xf32> to vector<1xf32>
        %parallel_loop3A_329 = vector.extract %parallel_loop3A_328[0] : f32 from vector<1xf32>
        %parallel_loop3A_330 = arith.constant 0 : i32
        %parallel_loop3A_331 = arith.addi %parallel_loop3A_330, %parallel_loop3A_306 : i32
        %parallel_loop3A_332 = arith.index_cast %parallel_loop3A_331 : i32 to index
        %parallel_loop3A_333 = arith.constant 0 : index
        %parallel_loop3A_334 = tpu.vector_load %arg6[%parallel_loop3A_332, %parallel_loop3A_333] {strides = array<i32>} : memref<128x256xf32, #tpu.memory_space<vmem>>, vector<1x16xf32>,
        %parallel_loop3A_335 = vector.shape_cast %parallel_loop3A_334 : vector<1x16xf32> to vector<16xf32>
        %parallel_loop3A_336 = vector.broadcast %parallel_loop3A_329 : f32 to vector<16xf32>
        %parallel_loop3A_337 = arith.mulf %parallel_loop3A_335, %parallel_loop3A_336 : vector<16xf32>
        %parallel_loop3A_338 = arith.addf %parallel_loop3A_307, %parallel_loop3A_337 : vector<16xf32>
        %parallel_loop3A_339 = arith.constant 0 : i32
        %parallel_loop3A_340 = arith.addi %parallel_loop3A_339, %parallel_loop3A_306 : i32
        %parallel_loop3A_341 = arith.index_cast %parallel_loop3A_340 : i32 to index
        %parallel_loop3A_342 = arith.constant 16 : index
        %parallel_loop3A_343 = tpu.vector_load %arg6[%parallel_loop3A_341, %parallel_loop3A_342] {strides = array<i32>} : memref<128x256xf32, #tpu.memory_space<vmem>>, vector<1x16xf32>,
        %parallel_loop3A_344 = vector.shape_cast %parallel_loop3A_343 : vector<1x16xf32> to vector<16xf32>
        %parallel_loop3A_345 = vector.broadcast %parallel_loop3A_329 : f32 to vector<16xf32>
        %parallel_loop3A_346 = arith.mulf %parallel_loop3A_344, %parallel_loop3A_345 : vector<16xf32>
        %parallel_loop3A_347 = arith.addf %parallel_loop3A_308, %parallel_loop3A_346 : vector<16xf32>
        %parallel_loop3A_348 = arith.constant 0 : i32
        %parallel_loop3A_349 = arith.addi %parallel_loop3A_348, %parallel_loop3A_306 : i32
        %parallel_loop3A_350 = arith.index_cast %parallel_loop3A_349 : i32 to index
        %parallel_loop3A_351 = arith.constant 32 : index
        %parallel_loop3A_352 = tpu.vector_load %arg6[%parallel_loop3A_350, %parallel_loop3A_351] {strides = array<i32>} : memref<128x256xf32, #tpu.memory_space<vmem>>, vector<1x16xf32>,
        %parallel_loop3A_353 = vector.shape_cast %parallel_loop3A_352 : vector<1x16xf32> to vector<16xf32>
        %parallel_loop3A_354 = vector.broadcast %parallel_loop3A_329 : f32 to vector<16xf32>
        %parallel_loop3A_355 = arith.mulf %parallel_loop3A_353, %parallel_loop3A_354 : vector<16xf32>
        %parallel_loop3A_356 = arith.addf %parallel_loop3A_309, %parallel_loop3A_355 : vector<16xf32>
        %parallel_loop3A_357 = arith.constant 0 : i32
        %parallel_loop3A_358 = arith.addi %parallel_loop3A_357, %parallel_loop3A_306 : i32
        %parallel_loop3A_359 = arith.index_cast %parallel_loop3A_358 : i32 to index
        %parallel_loop3A_360 = arith.constant 48 : index
        %parallel_loop3A_361 = tpu.vector_load %arg6[%parallel_loop3A_359, %parallel_loop3A_360] {strides = array<i32>} : memref<128x256xf32, #tpu.memory_space<vmem>>, vector<1x16xf32>,
        %parallel_loop3A_362 = vector.shape_cast %parallel_loop3A_361 : vector<1x16xf32> to vector<16xf32>
        %parallel_loop3A_363 = vector.broadcast %parallel_loop3A_329 : f32 to vector<16xf32>
        %parallel_loop3A_364 = arith.mulf %parallel_loop3A_362, %parallel_loop3A_363 : vector<16xf32>
        %parallel_loop3A_365 = arith.addf %parallel_loop3A_310, %parallel_loop3A_364 : vector<16xf32>
        %parallel_loop3A_366 = arith.constant 0 : i32
        %parallel_loop3A_367 = arith.addi %parallel_loop3A_366, %parallel_loop3A_306 : i32
        %parallel_loop3A_368 = arith.index_cast %parallel_loop3A_367 : i32 to index
        %parallel_loop3A_369 = arith.constant 64 : index
        %parallel_loop3A_370 = tpu.vector_load %arg6[%parallel_loop3A_368, %parallel_loop3A_369] {strides = array<i32>} : memref<128x256xf32, #tpu.memory_space<vmem>>, vector<1x16xf32>,
        %parallel_loop3A_371 = vector.shape_cast %parallel_loop3A_370 : vector<1x16xf32> to vector<16xf32>
        %parallel_loop3A_372 = vector.broadcast %parallel_loop3A_329 : f32 to vector<16xf32>
        %parallel_loop3A_373 = arith.mulf %parallel_loop3A_371, %parallel_loop3A_372 : vector<16xf32>
        %parallel_loop3A_374 = arith.addf %parallel_loop3A_311, %parallel_loop3A_373 : vector<16xf32>
        %parallel_loop3A_375 = arith.constant 0 : i32
        %parallel_loop3A_376 = arith.addi %parallel_loop3A_375, %parallel_loop3A_306 : i32
        %parallel_loop3A_377 = arith.index_cast %parallel_loop3A_376 : i32 to index
        %parallel_loop3A_378 = arith.constant 80 : index
        %parallel_loop3A_379 = tpu.vector_load %arg6[%parallel_loop3A_377, %parallel_loop3A_378] {strides = array<i32>} : memref<128x256xf32, #tpu.memory_space<vmem>>, vector<1x16xf32>,
        %parallel_loop3A_380 = vector.shape_cast %parallel_loop3A_379 : vector<1x16xf32> to vector<16xf32>
        %parallel_loop3A_381 = vector.broadcast %parallel_loop3A_329 : f32 to vector<16xf32>
        %parallel_loop3A_382 = arith.mulf %parallel_loop3A_380, %parallel_loop3A_381 : vector<16xf32>
        %parallel_loop3A_383 = arith.addf %parallel_loop3A_312, %parallel_loop3A_382 : vector<16xf32>
        %parallel_loop3A_384 = arith.constant 0 : i32
        %parallel_loop3A_385 = arith.addi %parallel_loop3A_384, %parallel_loop3A_306 : i32
        %parallel_loop3A_386 = arith.index_cast %parallel_loop3A_385 : i32 to index
        %parallel_loop3A_387 = arith.constant 96 : index
        %parallel_loop3A_388 = tpu.vector_load %arg6[%parallel_loop3A_386, %parallel_loop3A_387] {strides = array<i32>} : memref<128x256xf32, #tpu.memory_space<vmem>>, vector<1x16xf32>,
        %parallel_loop3A_389 = vector.shape_cast %parallel_loop3A_388 : vector<1x16xf32> to vector<16xf32>
        %parallel_loop3A_390 = vector.broadcast %parallel_loop3A_329 : f32 to vector<16xf32>
        %parallel_loop3A_391 = arith.mulf %parallel_loop3A_389, %parallel_loop3A_390 : vector<16xf32>
        %parallel_loop3A_392 = arith.addf %parallel_loop3A_313, %parallel_loop3A_391 : vector<16xf32>
        %parallel_loop3A_393 = arith.constant 0 : i32
        %parallel_loop3A_394 = arith.addi %parallel_loop3A_393, %parallel_loop3A_306 : i32
        %parallel_loop3A_395 = arith.index_cast %parallel_loop3A_394 : i32 to index
        %parallel_loop3A_396 = arith.constant 112 : index
        %parallel_loop3A_397 = tpu.vector_load %arg6[%parallel_loop3A_395, %parallel_loop3A_396] {strides = array<i32>} : memref<128x256xf32, #tpu.memory_space<vmem>>, vector<1x16xf32>,
        %parallel_loop3A_398 = vector.shape_cast %parallel_loop3A_397 : vector<1x16xf32> to vector<16xf32>
        %parallel_loop3A_399 = vector.broadcast %parallel_loop3A_329 : f32 to vector<16xf32>
        %parallel_loop3A_400 = arith.mulf %parallel_loop3A_398, %parallel_loop3A_399 : vector<16xf32>
        %parallel_loop3A_401 = arith.addf %parallel_loop3A_314, %parallel_loop3A_400 : vector<16xf32>
        %parallel_loop3A_402 = arith.constant 0 : i32
        %parallel_loop3A_403 = arith.addi %parallel_loop3A_402, %parallel_loop3A_306 : i32
        %parallel_loop3A_404 = arith.index_cast %parallel_loop3A_403 : i32 to index
        %parallel_loop3A_405 = arith.constant 128 : index
        %parallel_loop3A_406 = tpu.vector_load %arg6[%parallel_loop3A_404, %parallel_loop3A_405] {strides = array<i32>} : memref<128x256xf32, #tpu.memory_space<vmem>>, vector<1x16xf32>,
        %parallel_loop3A_407 = vector.shape_cast %parallel_loop3A_406 : vector<1x16xf32> to vector<16xf32>
        %parallel_loop3A_408 = vector.broadcast %parallel_loop3A_329 : f32 to vector<16xf32>
        %parallel_loop3A_409 = arith.mulf %parallel_loop3A_407, %parallel_loop3A_408 : vector<16xf32>
        %parallel_loop3A_410 = arith.addf %parallel_loop3A_315, %parallel_loop3A_409 : vector<16xf32>
        %parallel_loop3A_411 = arith.constant 0 : i32
        %parallel_loop3A_412 = arith.addi %parallel_loop3A_411, %parallel_loop3A_306 : i32
        %parallel_loop3A_413 = arith.index_cast %parallel_loop3A_412 : i32 to index
        %parallel_loop3A_414 = arith.constant 144 : index
        %parallel_loop3A_415 = tpu.vector_load %arg6[%parallel_loop3A_413, %parallel_loop3A_414] {strides = array<i32>} : memref<128x256xf32, #tpu.memory_space<vmem>>, vector<1x16xf32>,
        %parallel_loop3A_416 = vector.shape_cast %parallel_loop3A_415 : vector<1x16xf32> to vector<16xf32>
        %parallel_loop3A_417 = vector.broadcast %parallel_loop3A_329 : f32 to vector<16xf32>
        %parallel_loop3A_418 = arith.mulf %parallel_loop3A_416, %parallel_loop3A_417 : vector<16xf32>
        %parallel_loop3A_419 = arith.addf %parallel_loop3A_316, %parallel_loop3A_418 : vector<16xf32>
        %parallel_loop3A_420 = arith.constant 0 : i32
        %parallel_loop3A_421 = arith.addi %parallel_loop3A_420, %parallel_loop3A_306 : i32
        %parallel_loop3A_422 = arith.index_cast %parallel_loop3A_421 : i32 to index
        %parallel_loop3A_423 = arith.constant 160 : index
        %parallel_loop3A_424 = tpu.vector_load %arg6[%parallel_loop3A_422, %parallel_loop3A_423] {strides = array<i32>} : memref<128x256xf32, #tpu.memory_space<vmem>>, vector<1x16xf32>,
        %parallel_loop3A_425 = vector.shape_cast %parallel_loop3A_424 : vector<1x16xf32> to vector<16xf32>
        %parallel_loop3A_426 = vector.broadcast %parallel_loop3A_329 : f32 to vector<16xf32>
        %parallel_loop3A_427 = arith.mulf %parallel_loop3A_425, %parallel_loop3A_426 : vector<16xf32>
        %parallel_loop3A_428 = arith.addf %parallel_loop3A_317, %parallel_loop3A_427 : vector<16xf32>
        %parallel_loop3A_429 = arith.constant 0 : i32
        %parallel_loop3A_430 = arith.addi %parallel_loop3A_429, %parallel_loop3A_306 : i32
        %parallel_loop3A_431 = arith.index_cast %parallel_loop3A_430 : i32 to index
        %parallel_loop3A_432 = arith.constant 176 : index
        %parallel_loop3A_433 = tpu.vector_load %arg6[%parallel_loop3A_431, %parallel_loop3A_432] {strides = array<i32>} : memref<128x256xf32, #tpu.memory_space<vmem>>, vector<1x16xf32>,
        %parallel_loop3A_434 = vector.shape_cast %parallel_loop3A_433 : vector<1x16xf32> to vector<16xf32>
        %parallel_loop3A_435 = vector.broadcast %parallel_loop3A_329 : f32 to vector<16xf32>
        %parallel_loop3A_436 = arith.mulf %parallel_loop3A_434, %parallel_loop3A_435 : vector<16xf32>
        %parallel_loop3A_437 = arith.addf %parallel_loop3A_318, %parallel_loop3A_436 : vector<16xf32>
        %parallel_loop3A_438 = arith.constant 0 : i32
        %parallel_loop3A_439 = arith.addi %parallel_loop3A_438, %parallel_loop3A_306 : i32
        %parallel_loop3A_440 = arith.index_cast %parallel_loop3A_439 : i32 to index
        %parallel_loop3A_441 = arith.constant 192 : index
        %parallel_loop3A_442 = tpu.vector_load %arg6[%parallel_loop3A_440, %parallel_loop3A_441] {strides = array<i32>} : memref<128x256xf32, #tpu.memory_space<vmem>>, vector<1x16xf32>,
        %parallel_loop3A_443 = vector.shape_cast %parallel_loop3A_442 : vector<1x16xf32> to vector<16xf32>
        %parallel_loop3A_444 = vector.broadcast %parallel_loop3A_329 : f32 to vector<16xf32>
        %parallel_loop3A_445 = arith.mulf %parallel_loop3A_443, %parallel_loop3A_444 : vector<16xf32>
        %parallel_loop3A_446 = arith.addf %parallel_loop3A_319, %parallel_loop3A_445 : vector<16xf32>
        %parallel_loop3A_447 = arith.constant 0 : i32
        %parallel_loop3A_448 = arith.addi %parallel_loop3A_447, %parallel_loop3A_306 : i32
        %parallel_loop3A_449 = arith.index_cast %parallel_loop3A_448 : i32 to index
        %parallel_loop3A_450 = arith.constant 208 : index
        %parallel_loop3A_451 = tpu.vector_load %arg6[%parallel_loop3A_449, %parallel_loop3A_450] {strides = array<i32>} : memref<128x256xf32, #tpu.memory_space<vmem>>, vector<1x16xf32>,
        %parallel_loop3A_452 = vector.shape_cast %parallel_loop3A_451 : vector<1x16xf32> to vector<16xf32>
        %parallel_loop3A_453 = vector.broadcast %parallel_loop3A_329 : f32 to vector<16xf32>
        %parallel_loop3A_454 = arith.mulf %parallel_loop3A_452, %parallel_loop3A_453 : vector<16xf32>
        %parallel_loop3A_455 = arith.addf %parallel_loop3A_320, %parallel_loop3A_454 : vector<16xf32>
        %parallel_loop3A_456 = arith.constant 0 : i32
        %parallel_loop3A_457 = arith.addi %parallel_loop3A_456, %parallel_loop3A_306 : i32
        %parallel_loop3A_458 = arith.index_cast %parallel_loop3A_457 : i32 to index
        %parallel_loop3A_459 = arith.constant 224 : index
        %parallel_loop3A_460 = tpu.vector_load %arg6[%parallel_loop3A_458, %parallel_loop3A_459] {strides = array<i32>} : memref<128x256xf32, #tpu.memory_space<vmem>>, vector<1x16xf32>,
        %parallel_loop3A_461 = vector.shape_cast %parallel_loop3A_460 : vector<1x16xf32> to vector<16xf32>
        %parallel_loop3A_462 = vector.broadcast %parallel_loop3A_329 : f32 to vector<16xf32>
        %parallel_loop3A_463 = arith.mulf %parallel_loop3A_461, %parallel_loop3A_462 : vector<16xf32>
        %parallel_loop3A_464 = arith.addf %parallel_loop3A_321, %parallel_loop3A_463 : vector<16xf32>
        %parallel_loop3A_465 = arith.constant 0 : i32
        %parallel_loop3A_466 = arith.addi %parallel_loop3A_465, %parallel_loop3A_306 : i32
        %parallel_loop3A_467 = arith.index_cast %parallel_loop3A_466 : i32 to index
        %parallel_loop3A_468 = arith.constant 240 : index
        %parallel_loop3A_469 = tpu.vector_load %arg6[%parallel_loop3A_467, %parallel_loop3A_468] {strides = array<i32>} : memref<128x256xf32, #tpu.memory_space<vmem>>, vector<1x16xf32>,
        %parallel_loop3A_470 = vector.shape_cast %parallel_loop3A_469 : vector<1x16xf32> to vector<16xf32>
        %parallel_loop3A_471 = vector.broadcast %parallel_loop3A_329 : f32 to vector<16xf32>
        %parallel_loop3A_472 = arith.mulf %parallel_loop3A_470, %parallel_loop3A_471 : vector<16xf32>
        %parallel_loop3A_473 = arith.addf %parallel_loop3A_322, %parallel_loop3A_472 : vector<16xf32>
        scf.yield %parallel_loop3A_338, %parallel_loop3A_347, %parallel_loop3A_356, %parallel_loop3A_365, %parallel_loop3A_374, %parallel_loop3A_383, %parallel_loop3A_392, %parallel_loop3A_401, %parallel_loop3A_410, %parallel_loop3A_419, %parallel_loop3A_428, %parallel_loop3A_437, %parallel_loop3A_446, %parallel_loop3A_455, %parallel_loop3A_464, %parallel_loop3A_473 : vector<16xf32>, vector<16xf32>, vector<16xf32>, vector<16xf32>, vector<16xf32>, vector<16xf32>, vector<16xf32>, vector<16xf32>, vector<16xf32>, vector<16xf32>, vector<16xf32>, vector<16xf32>, vector<16xf32>, vector<16xf32>, vector<16xf32>, vector<16xf32>
      } {sc.loop_unroll_factor = 1 : i64, sc.parallel_access}
      %swap3A_242 = arith.constant 0 : index
      %swap3A_243 = tpu.vector_load %arg10[%swap3A_242] {strides = array<i32>} : memref<256xf32, #tpu.memory_space<vmem>>, vector<16xf32>,
      %swap3A_244 = vector.shape_cast %swap3A_243 : vector<16xf32> to vector<16xf32>
      %swap3A_245 = vector.shape_cast %parallel_loop3A_241#0 : vector<16xf32> to vector<16xf32>
      tpu.vector_store %arg10[%swap3A_242], %swap3A_245 {add = true, strides = array<i32>} : memref<256xf32, #tpu.memory_space<vmem>>, vector<16xf32>,
      %swap3A_246 = arith.constant 16 : index
      %swap3A_247 = tpu.vector_load %arg10[%swap3A_246] {strides = array<i32>} : memref<256xf32, #tpu.memory_space<vmem>>, vector<16xf32>,
      %swap3A_248 = vector.shape_cast %swap3A_247 : vector<16xf32> to vector<16xf32>
      %swap3A_249 = vector.shape_cast %parallel_loop3A_241#1 : vector<16xf32> to vector<16xf32>
      tpu.vector_store %arg10[%swap3A_246], %swap3A_249 {add = true, strides = array<i32>} : memref<256xf32, #tpu.memory_space<vmem>>, vector<16xf32>,
      %swap3A_250 = arith.constant 32 : index
      %swap3A_251 = tpu.vector_load %arg10[%swap3A_250] {strides = array<i32>} : memref<256xf32, #tpu.memory_space<vmem>>, vector<16xf32>,
      %swap3A_252 = vector.shape_cast %swap3A_251 : vector<16xf32> to vector<16xf32>
      %swap3A_253 = vector.shape_cast %parallel_loop3A_241#2 : vector<16xf32> to vector<16xf32>
      tpu.vector_store %arg10[%swap3A_250], %swap3A_253 {add = true, strides = array<i32>} : memref<256xf32, #tpu.memory_space<vmem>>, vector<16xf32>,
      %swap3A_254 = arith.constant 48 : index
      %swap3A_255 = tpu.vector_load %arg10[%swap3A_254] {strides = array<i32>} : memref<256xf32, #tpu.memory_space<vmem>>, vector<16xf32>,
      %swap3A_256 = vector.shape_cast %swap3A_255 : vector<16xf32> to vector<16xf32>
      %swap3A_257 = vector.shape_cast %parallel_loop3A_241#3 : vector<16xf32> to vector<16xf32>
      tpu.vector_store %arg10[%swap3A_254], %swap3A_257 {add = true, strides = array<i32>} : memref<256xf32, #tpu.memory_space<vmem>>, vector<16xf32>,
      %swap3A_258 = arith.constant 64 : index
      %swap3A_259 = tpu.vector_load %arg10[%swap3A_258] {strides = array<i32>} : memref<256xf32, #tpu.memory_space<vmem>>, vector<16xf32>,
      %swap3A_260 = vector.shape_cast %swap3A_259 : vector<16xf32> to vector<16xf32>
      %swap3A_261 = vector.shape_cast %parallel_loop3A_241#4 : vector<16xf32> to vector<16xf32>
      tpu.vector_store %arg10[%swap3A_258], %swap3A_261 {add = true, strides = array<i32>} : memref<256xf32, #tpu.memory_space<vmem>>, vector<16xf32>,
      %swap3A_262 = arith.constant 80 : index
      %swap3A_263 = tpu.vector_load %arg10[%swap3A_262] {strides = array<i32>} : memref<256xf32, #tpu.memory_space<vmem>>, vector<16xf32>,
      %swap3A_264 = vector.shape_cast %swap3A_263 : vector<16xf32> to vector<16xf32>
      %swap3A_265 = vector.shape_cast %parallel_loop3A_241#5 : vector<16xf32> to vector<16xf32>
      tpu.vector_store %arg10[%swap3A_262], %swap3A_265 {add = true, strides = array<i32>} : memref<256xf32, #tpu.memory_space<vmem>>, vector<16xf32>,
      %swap3A_266 = arith.constant 96 : index
      %swap3A_267 = tpu.vector_load %arg10[%swap3A_266] {strides = array<i32>} : memref<256xf32, #tpu.memory_space<vmem>>, vector<16xf32>,
      %swap3A_268 = vector.shape_cast %swap3A_267 : vector<16xf32> to vector<16xf32>
      %swap3A_269 = vector.shape_cast %parallel_loop3A_241#6 : vector<16xf32> to vector<16xf32>
      tpu.vector_store %arg10[%swap3A_266], %swap3A_269 {add = true, strides = array<i32>} : memref<256xf32, #tpu.memory_space<vmem>>, vector<16xf32>,
      %swap3A_270 = arith.constant 112 : index
      %swap3A_271 = tpu.vector_load %arg10[%swap3A_270] {strides = array<i32>} : memref<256xf32, #tpu.memory_space<vmem>>, vector<16xf32>,
      %swap3A_272 = vector.shape_cast %swap3A_271 : vector<16xf32> to vector<16xf32>
      %swap3A_273 = vector.shape_cast %parallel_loop3A_241#7 : vector<16xf32> to vector<16xf32>
      tpu.vector_store %arg10[%swap3A_270], %swap3A_273 {add = true, strides = array<i32>} : memref<256xf32, #tpu.memory_space<vmem>>, vector<16xf32>,
      %swap3A_274 = arith.constant 128 : index
      %swap3A_275 = tpu.vector_load %arg10[%swap3A_274] {strides = array<i32>} : memref<256xf32, #tpu.memory_space<vmem>>, vector<16xf32>,
      %swap3A_276 = vector.shape_cast %swap3A_275 : vector<16xf32> to vector<16xf32>
      %swap3A_277 = vector.shape_cast %parallel_loop3A_241#8 : vector<16xf32> to vector<16xf32>
      tpu.vector_store %arg10[%swap3A_274], %swap3A_277 {add = true, strides = array<i32>} : memref<256xf32, #tpu.memory_space<vmem>>, vector<16xf32>,
      %swap3A_278 = arith.constant 144 : index
      %swap3A_279 = tpu.vector_load %arg10[%swap3A_278] {strides = array<i32>} : memref<256xf32, #tpu.memory_space<vmem>>, vector<16xf32>,
      %swap3A_280 = vector.shape_cast %swap3A_279 : vector<16xf32> to vector<16xf32>
      %swap3A_281 = vector.shape_cast %parallel_loop3A_241#9 : vector<16xf32> to vector<16xf32>
      tpu.vector_store %arg10[%swap3A_278], %swap3A_281 {add = true, strides = array<i32>} : memref<256xf32, #tpu.memory_space<vmem>>, vector<16xf32>,
      %swap3A_282 = arith.constant 160 : index
      %swap3A_283 = tpu.vector_load %arg10[%swap3A_282] {strides = array<i32>} : memref<256xf32, #tpu.memory_space<vmem>>, vector<16xf32>,
      %swap3A_284 = vector.shape_cast %swap3A_283 : vector<16xf32> to vector<16xf32>
      %swap3A_285 = vector.shape_cast %parallel_loop3A_241#10 : vector<16xf32> to vector<16xf32>
      tpu.vector_store %arg10[%swap3A_282], %swap3A_285 {add = true, strides = array<i32>} : memref<256xf32, #tpu.memory_space<vmem>>, vector<16xf32>,
      %swap3A_286 = arith.constant 176 : index
      %swap3A_287 = tpu.vector_load %arg10[%swap3A_286] {strides = array<i32>} : memref<256xf32, #tpu.memory_space<vmem>>, vector<16xf32>,
      %swap3A_288 = vector.shape_cast %swap3A_287 : vector<16xf32> to vector<16xf32>
      %swap3A_289 = vector.shape_cast %parallel_loop3A_241#11 : vector<16xf32> to vector<16xf32>
      tpu.vector_store %arg10[%swap3A_286], %swap3A_289 {add = true, strides = array<i32>} : memref<256xf32, #tpu.memory_space<vmem>>, vector<16xf32>,
      %swap3A_290 = arith.constant 192 : index
      %swap3A_291 = tpu.vector_load %arg10[%swap3A_290] {strides = array<i32>} : memref<256xf32, #tpu.memory_space<vmem>>, vector<16xf32>,
      %swap3A_292 = vector.shape_cast %swap3A_291 : vector<16xf32> to vector<16xf32>
      %swap3A_293 = vector.shape_cast %parallel_loop3A_241#12 : vector<16xf32> to vector<16xf32>
      tpu.vector_store %arg10[%swap3A_290], %swap3A_293 {add = true, strides = array<i32>} : memref<256xf32, #tpu.memory_space<vmem>>, vector<16xf32>,
      %swap3A_294 = arith.constant 208 : index
      %swap3A_295 = tpu.vector_load %arg10[%swap3A_294] {strides = array<i32>} : memref<256xf32, #tpu.memory_space<vmem>>, vector<16xf32>,
      %swap3A_296 = vector.shape_cast %swap3A_295 : vector<16xf32> to vector<16xf32>
      %swap3A_297 = vector.shape_cast %parallel_loop3A_241#13 : vector<16xf32> to vector<16xf32>
      tpu.vector_store %arg10[%swap3A_294], %swap3A_297 {add = true, strides = array<i32>} : memref<256xf32, #tpu.memory_space<vmem>>, vector<16xf32>,
      %swap3A_298 = arith.constant 224 : index
      %swap3A_299 = tpu.vector_load %arg10[%swap3A_298] {strides = array<i32>} : memref<256xf32, #tpu.memory_space<vmem>>, vector<16xf32>,
      %swap3A_300 = vector.shape_cast %swap3A_299 : vector<16xf32> to vector<16xf32>
      %swap3A_301 = vector.shape_cast %parallel_loop3A_241#14 : vector<16xf32> to vector<16xf32>
      tpu.vector_store %arg10[%swap3A_298], %swap3A_301 {add = true, strides = array<i32>} : memref<256xf32, #tpu.memory_space<vmem>>, vector<16xf32>,
      %swap3A_302 = arith.constant 240 : index
      %swap3A_303 = tpu.vector_load %arg10[%swap3A_302] {strides = array<i32>} : memref<256xf32, #tpu.memory_space<vmem>>, vector<16xf32>,
      %swap3A_304 = vector.shape_cast %swap3A_303 : vector<16xf32> to vector<16xf32>
      %swap3A_305 = vector.shape_cast %parallel_loop3A_241#15 : vector<16xf32> to vector<16xf32>
      tpu.vector_store %arg10[%swap3A_302], %swap3A_305 {add = true, strides = array<i32>} : memref<256xf32, #tpu.memory_space<vmem>>, vector<16xf32>,
    } else {
    }
    %not3A = arith.constant true
    %not3A_103 = arith.xori %eq3A, %not3A : i1
    %convert_element_type3A_104 = arith.extui %not3A_103 : i1 to i32
    %cond3A_105 = arith.constant 0 : i32
    %cond3A_106 = arith.cmpi ne, %convert_element_type3A_104, %cond3A_105 : i32
    scf.if %cond3A_106 {
      %scan3A = arith.constant 0 : i32
      %scan3A_238 = arith.constant 0 : i32
      %scan3A_239 = arith.constant 8 : i32
      %scan3A_240 = arith.addi %scan3A_238, %scan3A_239 : i32
      %scan3A_241 = arith.constant 1 : i32
      scf.for %scan3A_243 = %scan3A_238 to %scan3A_240 step %scan3A_241  : i32 {
        %mul3A_244 = arith.constant 16 : i32
        %mul3A_245 = arith.muli %scan3A_243, %mul3A_244 : i32
        %add3A_246 = arith.constant 0 : i32
        %add3A_247 = arith.addi %add3A_246, %mul3A_245 : i32
        %get3A_248 = arith.index_cast %add3A_247 : i32 to index
        %get3A_249 = tpu.vector_load %arg8[%get3A_248] {strides = array<i32>} : memref<144xi32, #tpu.memory_space<vmem>>, vector<16xi32>,
        %get3A_250 = vector.shape_cast %get3A_249 : vector<16xi32> to vector<16xi32>
        %slice3A_251 = vector.extract_strided_slice %get3A_250 {offsets = [15], sizes = [1], strides = [1]} : vector<16xi32> to vector<1xi32>
        %squeeze3A_252 = vector.extract %slice3A_251[0] : i32 from vector<1xi32>
        %get3A_253 = arith.constant 0 : i32
        %get3A_254 = arith.index_cast %get3A_253 : i32 to index
        %get3A_255 = memref.load %arg11[%get3A_254] : memref<1xi32, #tpu.memory_space<smem>>
        %eq3A_256 = arith.cmpi eq, %squeeze3A_252, %get3A_255 : i32
        %convert_element_type3A_257 = arith.extui %eq3A_256 : i1 to i32
        %cond3A_258 = arith.constant 0 : i32
        %cond3A_259 = arith.cmpi ne, %convert_element_type3A_257, %cond3A_258 : i32
        scf.if %cond3A_259 {
          %mul3A_265 = arith.constant 16 : i32
          %mul3A_266 = arith.muli %scan3A_243, %mul3A_265 : i32
          %add3A_267 = arith.constant 0 : i32
          %add3A_268 = arith.addi %add3A_267, %mul3A_266 : i32
          %parallel_loop3A_269 = arith.constant 0 : i32
          %parallel_loop3A_270 = arith.constant 16 : i32
          %parallel_loop3A_271 = arith.constant 1 : i32
          %parallel_loop3A_272:16 = scf.for %parallel_loop3A_337 = %parallel_loop3A_269 to %parallel_loop3A_270 step %parallel_loop3A_271 iter_args(%parallel_loop3A_338 = %broadcast_in_dim3A_14, %parallel_loop3A_339 = %broadcast_in_dim3A_14, %parallel_loop3A_340 = %broadcast_in_dim3A_14, %parallel_loop3A_341 = %broadcast_in_dim3A_14, %parallel_loop3A_342 = %broadcast_in_dim3A_14, %parallel_loop3A_343 = %broadcast_in_dim3A_14, %parallel_loop3A_344 = %broadcast_in_dim3A_14, %parallel_loop3A_345 = %broadcast_in_dim3A_14, %parallel_loop3A_346 = %broadcast_in_dim3A_14, %parallel_loop3A_347 = %broadcast_in_dim3A_14, %parallel_loop3A_348 = %broadcast_in_dim3A_14, %parallel_loop3A_349 = %broadcast_in_dim3A_14, %parallel_loop3A_350 = %broadcast_in_dim3A_14, %parallel_loop3A_351 = %broadcast_in_dim3A_14, %parallel_loop3A_352 = %broadcast_in_dim3A_14, %parallel_loop3A_353 = %broadcast_in_dim3A_14) -> (vector<16xf32>, vector<16xf32>, vector<16xf32>, vector<16xf32>, vector<16xf32>, vector<16xf32>, vector<16xf32>, vector<16xf32>, vector<16xf32>, vector<16xf32>, vector<16xf32>, vector<16xf32>, vector<16xf32>, vector<16xf32>, vector<16xf32>, vector<16xf32>)  : i32 {
            %parallel_loop3A_354 = arith.addi %add3A_247, %parallel_loop3A_337 : i32
            %parallel_loop3A_355 = arith.index_cast %parallel_loop3A_354 : i32 to index
            %parallel_loop3A_356 = tpu.vector_load %arg7[%parallel_loop3A_355] {strides = array<i32>} : memref<144xf32, #tpu.memory_space<vmem>>, vector<16xf32>,
            %parallel_loop3A_357 = vector.shape_cast %parallel_loop3A_356 : vector<16xf32> to vector<16xf32>
            %parallel_loop3A_358 = vector.extract_strided_slice %parallel_loop3A_357 {offsets = [0], sizes = [1], strides = [1]} : vector<16xf32> to vector<1xf32>
            %parallel_loop3A_359 = vector.extract %parallel_loop3A_358[0] : f32 from vector<1xf32>
            %parallel_loop3A_360 = arith.addi %add3A_268, %parallel_loop3A_337 : i32
            %parallel_loop3A_361 = arith.index_cast %parallel_loop3A_360 : i32 to index
            %parallel_loop3A_362 = arith.constant 0 : index
            %parallel_loop3A_363 = tpu.vector_load %arg6[%parallel_loop3A_361, %parallel_loop3A_362] {strides = array<i32>} : memref<128x256xf32, #tpu.memory_space<vmem>>, vector<1x16xf32>,
            %parallel_loop3A_364 = vector.shape_cast %parallel_loop3A_363 : vector<1x16xf32> to vector<16xf32>
            %parallel_loop3A_365 = vector.broadcast %parallel_loop3A_359 : f32 to vector<16xf32>
            %parallel_loop3A_366 = arith.mulf %parallel_loop3A_364, %parallel_loop3A_365 : vector<16xf32>
            %parallel_loop3A_367 = arith.addf %parallel_loop3A_338, %parallel_loop3A_366 : vector<16xf32>
            %parallel_loop3A_368 = arith.addi %add3A_268, %parallel_loop3A_337 : i32
            %parallel_loop3A_369 = arith.index_cast %parallel_loop3A_368 : i32 to index
            %parallel_loop3A_370 = arith.constant 16 : index
            %parallel_loop3A_371 = tpu.vector_load %arg6[%parallel_loop3A_369, %parallel_loop3A_370] {strides = array<i32>} : memref<128x256xf32, #tpu.memory_space<vmem>>, vector<1x16xf32>,
            %parallel_loop3A_372 = vector.shape_cast %parallel_loop3A_371 : vector<1x16xf32> to vector<16xf32>
            %parallel_loop3A_373 = vector.broadcast %parallel_loop3A_359 : f32 to vector<16xf32>
            %parallel_loop3A_374 = arith.mulf %parallel_loop3A_372, %parallel_loop3A_373 : vector<16xf32>
            %parallel_loop3A_375 = arith.addf %parallel_loop3A_339, %parallel_loop3A_374 : vector<16xf32>
            %parallel_loop3A_376 = arith.addi %add3A_268, %parallel_loop3A_337 : i32
            %parallel_loop3A_377 = arith.index_cast %parallel_loop3A_376 : i32 to index
            %parallel_loop3A_378 = arith.constant 32 : index
            %parallel_loop3A_379 = tpu.vector_load %arg6[%parallel_loop3A_377, %parallel_loop3A_378] {strides = array<i32>} : memref<128x256xf32, #tpu.memory_space<vmem>>, vector<1x16xf32>,
            %parallel_loop3A_380 = vector.shape_cast %parallel_loop3A_379 : vector<1x16xf32> to vector<16xf32>
            %parallel_loop3A_381 = vector.broadcast %parallel_loop3A_359 : f32 to vector<16xf32>
            %parallel_loop3A_382 = arith.mulf %parallel_loop3A_380, %parallel_loop3A_381 : vector<16xf32>
            %parallel_loop3A_383 = arith.addf %parallel_loop3A_340, %parallel_loop3A_382 : vector<16xf32>
            %parallel_loop3A_384 = arith.addi %add3A_268, %parallel_loop3A_337 : i32
            %parallel_loop3A_385 = arith.index_cast %parallel_loop3A_384 : i32 to index
            %parallel_loop3A_386 = arith.constant 48 : index
            %parallel_loop3A_387 = tpu.vector_load %arg6[%parallel_loop3A_385, %parallel_loop3A_386] {strides = array<i32>} : memref<128x256xf32, #tpu.memory_space<vmem>>, vector<1x16xf32>,
            %parallel_loop3A_388 = vector.shape_cast %parallel_loop3A_387 : vector<1x16xf32> to vector<16xf32>
            %parallel_loop3A_389 = vector.broadcast %parallel_loop3A_359 : f32 to vector<16xf32>
            %parallel_loop3A_390 = arith.mulf %parallel_loop3A_388, %parallel_loop3A_389 : vector<16xf32>
            %parallel_loop3A_391 = arith.addf %parallel_loop3A_341, %parallel_loop3A_390 : vector<16xf32>
            %parallel_loop3A_392 = arith.addi %add3A_268, %parallel_loop3A_337 : i32
            %parallel_loop3A_393 = arith.index_cast %parallel_loop3A_392 : i32 to index
            %parallel_loop3A_394 = arith.constant 64 : index
            %parallel_loop3A_395 = tpu.vector_load %arg6[%parallel_loop3A_393, %parallel_loop3A_394] {strides = array<i32>} : memref<128x256xf32, #tpu.memory_space<vmem>>, vector<1x16xf32>,
            %parallel_loop3A_396 = vector.shape_cast %parallel_loop3A_395 : vector<1x16xf32> to vector<16xf32>
            %parallel_loop3A_397 = vector.broadcast %parallel_loop3A_359 : f32 to vector<16xf32>
            %parallel_loop3A_398 = arith.mulf %parallel_loop3A_396, %parallel_loop3A_397 : vector<16xf32>
            %parallel_loop3A_399 = arith.addf %parallel_loop3A_342, %parallel_loop3A_398 : vector<16xf32>
            %parallel_loop3A_400 = arith.addi %add3A_268, %parallel_loop3A_337 : i32
            %parallel_loop3A_401 = arith.index_cast %parallel_loop3A_400 : i32 to index
            %parallel_loop3A_402 = arith.constant 80 : index
            %parallel_loop3A_403 = tpu.vector_load %arg6[%parallel_loop3A_401, %parallel_loop3A_402] {strides = array<i32>} : memref<128x256xf32, #tpu.memory_space<vmem>>, vector<1x16xf32>,
            %parallel_loop3A_404 = vector.shape_cast %parallel_loop3A_403 : vector<1x16xf32> to vector<16xf32>
            %parallel_loop3A_405 = vector.broadcast %parallel_loop3A_359 : f32 to vector<16xf32>
            %parallel_loop3A_406 = arith.mulf %parallel_loop3A_404, %parallel_loop3A_405 : vector<16xf32>
            %parallel_loop3A_407 = arith.addf %parallel_loop3A_343, %parallel_loop3A_406 : vector<16xf32>
            %parallel_loop3A_408 = arith.addi %add3A_268, %parallel_loop3A_337 : i32
            %parallel_loop3A_409 = arith.index_cast %parallel_loop3A_408 : i32 to index
            %parallel_loop3A_410 = arith.constant 96 : index
            %parallel_loop3A_411 = tpu.vector_load %arg6[%parallel_loop3A_409, %parallel_loop3A_410] {strides = array<i32>} : memref<128x256xf32, #tpu.memory_space<vmem>>, vector<1x16xf32>,
            %parallel_loop3A_412 = vector.shape_cast %parallel_loop3A_411 : vector<1x16xf32> to vector<16xf32>
            %parallel_loop3A_413 = vector.broadcast %parallel_loop3A_359 : f32 to vector<16xf32>
            %parallel_loop3A_414 = arith.mulf %parallel_loop3A_412, %parallel_loop3A_413 : vector<16xf32>
            %parallel_loop3A_415 = arith.addf %parallel_loop3A_344, %parallel_loop3A_414 : vector<16xf32>
            %parallel_loop3A_416 = arith.addi %add3A_268, %parallel_loop3A_337 : i32
            %parallel_loop3A_417 = arith.index_cast %parallel_loop3A_416 : i32 to index
            %parallel_loop3A_418 = arith.constant 112 : index
            %parallel_loop3A_419 = tpu.vector_load %arg6[%parallel_loop3A_417, %parallel_loop3A_418] {strides = array<i32>} : memref<128x256xf32, #tpu.memory_space<vmem>>, vector<1x16xf32>,
            %parallel_loop3A_420 = vector.shape_cast %parallel_loop3A_419 : vector<1x16xf32> to vector<16xf32>
            %parallel_loop3A_421 = vector.broadcast %parallel_loop3A_359 : f32 to vector<16xf32>
            %parallel_loop3A_422 = arith.mulf %parallel_loop3A_420, %parallel_loop3A_421 : vector<16xf32>
            %parallel_loop3A_423 = arith.addf %parallel_loop3A_345, %parallel_loop3A_422 : vector<16xf32>
            %parallel_loop3A_424 = arith.addi %add3A_268, %parallel_loop3A_337 : i32
            %parallel_loop3A_425 = arith.index_cast %parallel_loop3A_424 : i32 to index
            %parallel_loop3A_426 = arith.constant 128 : index
            %parallel_loop3A_427 = tpu.vector_load %arg6[%parallel_loop3A_425, %parallel_loop3A_426] {strides = array<i32>} : memref<128x256xf32, #tpu.memory_space<vmem>>, vector<1x16xf32>,
            %parallel_loop3A_428 = vector.shape_cast %parallel_loop3A_427 : vector<1x16xf32> to vector<16xf32>
            %parallel_loop3A_429 = vector.broadcast %parallel_loop3A_359 : f32 to vector<16xf32>
            %parallel_loop3A_430 = arith.mulf %parallel_loop3A_428, %parallel_loop3A_429 : vector<16xf32>
            %parallel_loop3A_431 = arith.addf %parallel_loop3A_346, %parallel_loop3A_430 : vector<16xf32>
            %parallel_loop3A_432 = arith.addi %add3A_268, %parallel_loop3A_337 : i32
            %parallel_loop3A_433 = arith.index_cast %parallel_loop3A_432 : i32 to index
            %parallel_loop3A_434 = arith.constant 144 : index
            %parallel_loop3A_435 = tpu.vector_load %arg6[%parallel_loop3A_433, %parallel_loop3A_434] {strides = array<i32>} : memref<128x256xf32, #tpu.memory_space<vmem>>, vector<1x16xf32>,
            %parallel_loop3A_436 = vector.shape_cast %parallel_loop3A_435 : vector<1x16xf32> to vector<16xf32>
            %parallel_loop3A_437 = vector.broadcast %parallel_loop3A_359 : f32 to vector<16xf32>
            %parallel_loop3A_438 = arith.mulf %parallel_loop3A_436, %parallel_loop3A_437 : vector<16xf32>
            %parallel_loop3A_439 = arith.addf %parallel_loop3A_347, %parallel_loop3A_438 : vector<16xf32>
            %parallel_loop3A_440 = arith.addi %add3A_268, %parallel_loop3A_337 : i32
            %parallel_loop3A_441 = arith.index_cast %parallel_loop3A_440 : i32 to index
            %parallel_loop3A_442 = arith.constant 160 : index
            %parallel_loop3A_443 = tpu.vector_load %arg6[%parallel_loop3A_441, %parallel_loop3A_442] {strides = array<i32>} : memref<128x256xf32, #tpu.memory_space<vmem>>, vector<1x16xf32>,
            %parallel_loop3A_444 = vector.shape_cast %parallel_loop3A_443 : vector<1x16xf32> to vector<16xf32>
            %parallel_loop3A_445 = vector.broadcast %parallel_loop3A_359 : f32 to vector<16xf32>
            %parallel_loop3A_446 = arith.mulf %parallel_loop3A_444, %parallel_loop3A_445 : vector<16xf32>
            %parallel_loop3A_447 = arith.addf %parallel_loop3A_348, %parallel_loop3A_446 : vector<16xf32>
            %parallel_loop3A_448 = arith.addi %add3A_268, %parallel_loop3A_337 : i32
            %parallel_loop3A_449 = arith.index_cast %parallel_loop3A_448 : i32 to index
            %parallel_loop3A_450 = arith.constant 176 : index
            %parallel_loop3A_451 = tpu.vector_load %arg6[%parallel_loop3A_449, %parallel_loop3A_450] {strides = array<i32>} : memref<128x256xf32, #tpu.memory_space<vmem>>, vector<1x16xf32>,
            %parallel_loop3A_452 = vector.shape_cast %parallel_loop3A_451 : vector<1x16xf32> to vector<16xf32>
            %parallel_loop3A_453 = vector.broadcast %parallel_loop3A_359 : f32 to vector<16xf32>
            %parallel_loop3A_454 = arith.mulf %parallel_loop3A_452, %parallel_loop3A_453 : vector<16xf32>
            %parallel_loop3A_455 = arith.addf %parallel_loop3A_349, %parallel_loop3A_454 : vector<16xf32>
            %parallel_loop3A_456 = arith.addi %add3A_268, %parallel_loop3A_337 : i32
            %parallel_loop3A_457 = arith.index_cast %parallel_loop3A_456 : i32 to index
            %parallel_loop3A_458 = arith.constant 192 : index
            %parallel_loop3A_459 = tpu.vector_load %arg6[%parallel_loop3A_457, %parallel_loop3A_458] {strides = array<i32>} : memref<128x256xf32, #tpu.memory_space<vmem>>, vector<1x16xf32>,
            %parallel_loop3A_460 = vector.shape_cast %parallel_loop3A_459 : vector<1x16xf32> to vector<16xf32>
            %parallel_loop3A_461 = vector.broadcast %parallel_loop3A_359 : f32 to vector<16xf32>
            %parallel_loop3A_462 = arith.mulf %parallel_loop3A_460, %parallel_loop3A_461 : vector<16xf32>
            %parallel_loop3A_463 = arith.addf %parallel_loop3A_350, %parallel_loop3A_462 : vector<16xf32>
            %parallel_loop3A_464 = arith.addi %add3A_268, %parallel_loop3A_337 : i32
            %parallel_loop3A_465 = arith.index_cast %parallel_loop3A_464 : i32 to index
            %parallel_loop3A_466 = arith.constant 208 : index
            %parallel_loop3A_467 = tpu.vector_load %arg6[%parallel_loop3A_465, %parallel_loop3A_466] {strides = array<i32>} : memref<128x256xf32, #tpu.memory_space<vmem>>, vector<1x16xf32>,
            %parallel_loop3A_468 = vector.shape_cast %parallel_loop3A_467 : vector<1x16xf32> to vector<16xf32>
            %parallel_loop3A_469 = vector.broadcast %parallel_loop3A_359 : f32 to vector<16xf32>
            %parallel_loop3A_470 = arith.mulf %parallel_loop3A_468, %parallel_loop3A_469 : vector<16xf32>
            %parallel_loop3A_471 = arith.addf %parallel_loop3A_351, %parallel_loop3A_470 : vector<16xf32>
            %parallel_loop3A_472 = arith.addi %add3A_268, %parallel_loop3A_337 : i32
            %parallel_loop3A_473 = arith.index_cast %parallel_loop3A_472 : i32 to index
            %parallel_loop3A_474 = arith.constant 224 : index
            %parallel_loop3A_475 = tpu.vector_load %arg6[%parallel_loop3A_473, %parallel_loop3A_474] {strides = array<i32>} : memref<128x256xf32, #tpu.memory_space<vmem>>, vector<1x16xf32>,
            %parallel_loop3A_476 = vector.shape_cast %parallel_loop3A_475 : vector<1x16xf32> to vector<16xf32>
            %parallel_loop3A_477 = vector.broadcast %parallel_loop3A_359 : f32 to vector<16xf32>
            %parallel_loop3A_478 = arith.mulf %parallel_loop3A_476, %parallel_loop3A_477 : vector<16xf32>
            %parallel_loop3A_479 = arith.addf %parallel_loop3A_352, %parallel_loop3A_478 : vector<16xf32>
            %parallel_loop3A_480 = arith.addi %add3A_268, %parallel_loop3A_337 : i32
            %parallel_loop3A_481 = arith.index_cast %parallel_loop3A_480 : i32 to index
            %parallel_loop3A_482 = arith.constant 240 : index
            %parallel_loop3A_483 = tpu.vector_load %arg6[%parallel_loop3A_481, %parallel_loop3A_482] {strides = array<i32>} : memref<128x256xf32, #tpu.memory_space<vmem>>, vector<1x16xf32>,
            %parallel_loop3A_484 = vector.shape_cast %parallel_loop3A_483 : vector<1x16xf32> to vector<16xf32>
            %parallel_loop3A_485 = vector.broadcast %parallel_loop3A_359 : f32 to vector<16xf32>
            %parallel_loop3A_486 = arith.mulf %parallel_loop3A_484, %parallel_loop3A_485 : vector<16xf32>
            %parallel_loop3A_487 = arith.addf %parallel_loop3A_353, %parallel_loop3A_486 : vector<16xf32>
            scf.yield %parallel_loop3A_367, %parallel_loop3A_375, %parallel_loop3A_383, %parallel_loop3A_391, %parallel_loop3A_399, %parallel_loop3A_407, %parallel_loop3A_415, %parallel_loop3A_423, %parallel_loop3A_431, %parallel_loop3A_439, %parallel_loop3A_447, %parallel_loop3A_455, %parallel_loop3A_463, %parallel_loop3A_471, %parallel_loop3A_479, %parallel_loop3A_487 : vector<16xf32>, vector<16xf32>, vector<16xf32>, vector<16xf32>, vector<16xf32>, vector<16xf32>, vector<16xf32>, vector<16xf32>, vector<16xf32>, vector<16xf32>, vector<16xf32>, vector<16xf32>, vector<16xf32>, vector<16xf32>, vector<16xf32>, vector<16xf32>
          } {sc.loop_unroll_factor = 1 : i64, sc.parallel_access}
          %swap3A_273 = arith.constant 0 : index
          %swap3A_274 = tpu.vector_load %arg10[%swap3A_273] {strides = array<i32>} : memref<256xf32, #tpu.memory_space<vmem>>, vector<16xf32>,
          %swap3A_275 = vector.shape_cast %swap3A_274 : vector<16xf32> to vector<16xf32>
          %swap3A_276 = vector.shape_cast %parallel_loop3A_272#0 : vector<16xf32> to vector<16xf32>
          tpu.vector_store %arg10[%swap3A_273], %swap3A_276 {add = true, strides = array<i32>} : memref<256xf32, #tpu.memory_space<vmem>>, vector<16xf32>,
          %swap3A_277 = arith.constant 16 : index
          %swap3A_278 = tpu.vector_load %arg10[%swap3A_277] {strides = array<i32>} : memref<256xf32, #tpu.memory_space<vmem>>, vector<16xf32>,
          %swap3A_279 = vector.shape_cast %swap3A_278 : vector<16xf32> to vector<16xf32>
          %swap3A_280 = vector.shape_cast %parallel_loop3A_272#1 : vector<16xf32> to vector<16xf32>
          tpu.vector_store %arg10[%swap3A_277], %swap3A_280 {add = true, strides = array<i32>} : memref<256xf32, #tpu.memory_space<vmem>>, vector<16xf32>,
          %swap3A_281 = arith.constant 32 : index
          %swap3A_282 = tpu.vector_load %arg10[%swap3A_281] {strides = array<i32>} : memref<256xf32, #tpu.memory_space<vmem>>, vector<16xf32>,
          %swap3A_283 = vector.shape_cast %swap3A_282 : vector<16xf32> to vector<16xf32>
          %swap3A_284 = vector.shape_cast %parallel_loop3A_272#2 : vector<16xf32> to vector<16xf32>
          tpu.vector_store %arg10[%swap3A_281], %swap3A_284 {add = true, strides = array<i32>} : memref<256xf32, #tpu.memory_space<vmem>>, vector<16xf32>,
          %swap3A_285 = arith.constant 48 : index
          %swap3A_286 = tpu.vector_load %arg10[%swap3A_285] {strides = array<i32>} : memref<256xf32, #tpu.memory_space<vmem>>, vector<16xf32>,
          %swap3A_287 = vector.shape_cast %swap3A_286 : vector<16xf32> to vector<16xf32>
          %swap3A_288 = vector.shape_cast %parallel_loop3A_272#3 : vector<16xf32> to vector<16xf32>
          tpu.vector_store %arg10[%swap3A_285], %swap3A_288 {add = true, strides = array<i32>} : memref<256xf32, #tpu.memory_space<vmem>>, vector<16xf32>,
          %swap3A_289 = arith.constant 64 : index
          %swap3A_290 = tpu.vector_load %arg10[%swap3A_289] {strides = array<i32>} : memref<256xf32, #tpu.memory_space<vmem>>, vector<16xf32>,
          %swap3A_291 = vector.shape_cast %swap3A_290 : vector<16xf32> to vector<16xf32>
          %swap3A_292 = vector.shape_cast %parallel_loop3A_272#4 : vector<16xf32> to vector<16xf32>
          tpu.vector_store %arg10[%swap3A_289], %swap3A_292 {add = true, strides = array<i32>} : memref<256xf32, #tpu.memory_space<vmem>>, vector<16xf32>,
          %swap3A_293 = arith.constant 80 : index
          %swap3A_294 = tpu.vector_load %arg10[%swap3A_293] {strides = array<i32>} : memref<256xf32, #tpu.memory_space<vmem>>, vector<16xf32>,
          %swap3A_295 = vector.shape_cast %swap3A_294 : vector<16xf32> to vector<16xf32>
          %swap3A_296 = vector.shape_cast %parallel_loop3A_272#5 : vector<16xf32> to vector<16xf32>
          tpu.vector_store %arg10[%swap3A_293], %swap3A_296 {add = true, strides = array<i32>} : memref<256xf32, #tpu.memory_space<vmem>>, vector<16xf32>,
          %swap3A_297 = arith.constant 96 : index
          %swap3A_298 = tpu.vector_load %arg10[%swap3A_297] {strides = array<i32>} : memref<256xf32, #tpu.memory_space<vmem>>, vector<16xf32>,
          %swap3A_299 = vector.shape_cast %swap3A_298 : vector<16xf32> to vector<16xf32>
          %swap3A_300 = vector.shape_cast %parallel_loop3A_272#6 : vector<16xf32> to vector<16xf32>
          tpu.vector_store %arg10[%swap3A_297], %swap3A_300 {add = true, strides = array<i32>} : memref<256xf32, #tpu.memory_space<vmem>>, vector<16xf32>,
          %swap3A_301 = arith.constant 112 : index
          %swap3A_302 = tpu.vector_load %arg10[%swap3A_301] {strides = array<i32>} : memref<256xf32, #tpu.memory_space<vmem>>, vector<16xf32>,
          %swap3A_303 = vector.shape_cast %swap3A_302 : vector<16xf32> to vector<16xf32>
          %swap3A_304 = vector.shape_cast %parallel_loop3A_272#7 : vector<16xf32> to vector<16xf32>
          tpu.vector_store %arg10[%swap3A_301], %swap3A_304 {add = true, strides = array<i32>} : memref<256xf32, #tpu.memory_space<vmem>>, vector<16xf32>,
          %swap3A_305 = arith.constant 128 : index
          %swap3A_306 = tpu.vector_load %arg10[%swap3A_305] {strides = array<i32>} : memref<256xf32, #tpu.memory_space<vmem>>, vector<16xf32>,
          %swap3A_307 = vector.shape_cast %swap3A_306 : vector<16xf32> to vector<16xf32>
          %swap3A_308 = vector.shape_cast %parallel_loop3A_272#8 : vector<16xf32> to vector<16xf32>
          tpu.vector_store %arg10[%swap3A_305], %swap3A_308 {add = true, strides = array<i32>} : memref<256xf32, #tpu.memory_space<vmem>>, vector<16xf32>,
          %swap3A_309 = arith.constant 144 : index
          %swap3A_310 = tpu.vector_load %arg10[%swap3A_309] {strides = array<i32>} : memref<256xf32, #tpu.memory_space<vmem>>, vector<16xf32>,
          %swap3A_311 = vector.shape_cast %swap3A_310 : vector<16xf32> to vector<16xf32>
          %swap3A_312 = vector.shape_cast %parallel_loop3A_272#9 : vector<16xf32> to vector<16xf32>
          tpu.vector_store %arg10[%swap3A_309], %swap3A_312 {add = true, strides = array<i32>} : memref<256xf32, #tpu.memory_space<vmem>>, vector<16xf32>,
          %swap3A_313 = arith.constant 160 : index
          %swap3A_314 = tpu.vector_load %arg10[%swap3A_313] {strides = array<i32>} : memref<256xf32, #tpu.memory_space<vmem>>, vector<16xf32>,
          %swap3A_315 = vector.shape_cast %swap3A_314 : vector<16xf32> to vector<16xf32>
          %swap3A_316 = vector.shape_cast %parallel_loop3A_272#10 : vector<16xf32> to vector<16xf32>
          tpu.vector_store %arg10[%swap3A_313], %swap3A_316 {add = true, strides = array<i32>} : memref<256xf32, #tpu.memory_space<vmem>>, vector<16xf32>,
          %swap3A_317 = arith.constant 176 : index
          %swap3A_318 = tpu.vector_load %arg10[%swap3A_317] {strides = array<i32>} : memref<256xf32, #tpu.memory_space<vmem>>, vector<16xf32>,
          %swap3A_319 = vector.shape_cast %swap3A_318 : vector<16xf32> to vector<16xf32>
          %swap3A_320 = vector.shape_cast %parallel_loop3A_272#11 : vector<16xf32> to vector<16xf32>
          tpu.vector_store %arg10[%swap3A_317], %swap3A_320 {add = true, strides = array<i32>} : memref<256xf32, #tpu.memory_space<vmem>>, vector<16xf32>,
          %swap3A_321 = arith.constant 192 : index
          %swap3A_322 = tpu.vector_load %arg10[%swap3A_321] {strides = array<i32>} : memref<256xf32, #tpu.memory_space<vmem>>, vector<16xf32>,
          %swap3A_323 = vector.shape_cast %swap3A_322 : vector<16xf32> to vector<16xf32>
          %swap3A_324 = vector.shape_cast %parallel_loop3A_272#12 : vector<16xf32> to vector<16xf32>
          tpu.vector_store %arg10[%swap3A_321], %swap3A_324 {add = true, strides = array<i32>} : memref<256xf32, #tpu.memory_space<vmem>>, vector<16xf32>,
          %swap3A_325 = arith.constant 208 : index
          %swap3A_326 = tpu.vector_load %arg10[%swap3A_325] {strides = array<i32>} : memref<256xf32, #tpu.memory_space<vmem>>, vector<16xf32>,
          %swap3A_327 = vector.shape_cast %swap3A_326 : vector<16xf32> to vector<16xf32>
          %swap3A_328 = vector.shape_cast %parallel_loop3A_272#13 : vector<16xf32> to vector<16xf32>
          tpu.vector_store %arg10[%swap3A_325], %swap3A_328 {add = true, strides = array<i32>} : memref<256xf32, #tpu.memory_space<vmem>>, vector<16xf32>,
          %swap3A_329 = arith.constant 224 : index
          %swap3A_330 = tpu.vector_load %arg10[%swap3A_329] {strides = array<i32>} : memref<256xf32, #tpu.memory_space<vmem>>, vector<16xf32>,
          %swap3A_331 = vector.shape_cast %swap3A_330 : vector<16xf32> to vector<16xf32>
          %swap3A_332 = vector.shape_cast %parallel_loop3A_272#14 : vector<16xf32> to vector<16xf32>
          tpu.vector_store %arg10[%swap3A_329], %swap3A_332 {add = true, strides = array<i32>} : memref<256xf32, #tpu.memory_space<vmem>>, vector<16xf32>,
          %swap3A_333 = arith.constant 240 : index
          %swap3A_334 = tpu.vector_load %arg10[%swap3A_333] {strides = array<i32>} : memref<256xf32, #tpu.memory_space<vmem>>, vector<16xf32>,
          %swap3A_335 = vector.shape_cast %swap3A_334 : vector<16xf32> to vector<16xf32>
          %swap3A_336 = vector.shape_cast %parallel_loop3A_272#15 : vector<16xf32> to vector<16xf32>
          tpu.vector_store %arg10[%swap3A_333], %swap3A_336 {add = true, strides = array<i32>} : memref<256xf32, #tpu.memory_space<vmem>>, vector<16xf32>,
        } else {
        }
        %not3A_260 = arith.constant true
        %not3A_261 = arith.xori %eq3A_256, %not3A_260 : i1
        %convert_element_type3A_262 = arith.extui %not3A_261 : i1 to i32
        %cond3A_263 = arith.constant 0 : i32
        %cond3A_264 = arith.cmpi ne, %convert_element_type3A_262, %cond3A_263 : i32
        scf.if %cond3A_264 {
          %scan3A_265 = arith.constant 0 : i32
          %scan3A_266 = arith.constant 0 : i32
          %scan3A_267 = arith.constant 16 : i32
          %scan3A_268 = arith.addi %scan3A_266, %scan3A_267 : i32
          %scan3A_269 = arith.constant 1 : i32
          scf.for %scan3A_271 = %scan3A_266 to %scan3A_268 step %scan3A_269  : i32 {
            %add3A_272 = arith.addi %add3A_247, %scan3A_271 : i32
            %get3A_273 = arith.index_cast %add3A_272 : i32 to index
            %get3A_274 = tpu.vector_load %arg8[%get3A_273] {strides = array<i32>} : memref<144xi32, #tpu.memory_space<vmem>>, vector<16xi32>,
            %get3A_275 = vector.shape_cast %get3A_274 : vector<16xi32> to vector<16xi32>
            %slice3A_276 = vector.extract_strided_slice %get3A_275 {offsets = [0], sizes = [1], strides = [1]} : vector<16xi32> to vector<1xi32>
            %squeeze3A_277 = vector.extract %slice3A_276[0] : i32 from vector<1xi32>
            %add3A_278 = arith.addi %add3A_247, %scan3A_271 : i32
            %get3A_279 = arith.index_cast %add3A_278 : i32 to index
            %get3A_280 = tpu.vector_load %arg7[%get3A_279] {strides = array<i32>} : memref<144xf32, #tpu.memory_space<vmem>>, vector<16xf32>,
            %get3A_281 = vector.shape_cast %get3A_280 : vector<16xf32> to vector<16xf32>
            %slice3A_282 = vector.extract_strided_slice %get3A_281 {offsets = [0], sizes = [1], strides = [1]} : vector<16xf32> to vector<1xf32>
            %squeeze3A_283 = vector.extract %slice3A_282[0] : f32 from vector<1xf32>
            %mul3A_284 = arith.constant 16 : i32
            %mul3A_285 = arith.muli %scan3A_243, %mul3A_284 : i32
            %add3A_286 = arith.constant 0 : i32
            %add3A_287 = arith.addi %add3A_286, %mul3A_285 : i32
            %add3A_288 = arith.addi %add3A_287, %scan3A_271 : i32
            %get3A_289 = arith.constant 0 : i32
            %get3A_290 = arith.index_cast %get3A_289 : i32 to index
            %get3A_291 = memref.load %arg11[%get3A_290] : memref<1xi32, #tpu.memory_space<smem>>
            %ne3A = arith.cmpi ne, %squeeze3A_277, %get3A_291 : i32
            %convert_element_type3A_292 = arith.extui %ne3A : i1 to i32
            %cond3A_293 = arith.constant 0 : i32
            %cond3A_294 = arith.cmpi ne, %convert_element_type3A_292, %cond3A_293 : i32
            scf.if %cond3A_294 {
              %get3A_455 = arith.constant 0 : i32
              %get3A_456 = arith.index_cast %get3A_455 : i32 to index
              %get3A_457 = memref.load %arg11[%get3A_456] : memref<1xi32, #tpu.memory_space<smem>>
              %get3A_458 = arith.constant 0 : index
              %get3A_459 = tpu.vector_load %arg10[%get3A_458] {strides = array<i32>} : memref<256xf32, #tpu.memory_space<vmem>>, vector<16xf32>,
              %get3A_460 = vector.shape_cast %get3A_459 : vector<16xf32> to vector<16xf32>
              %swap3A_461 = arith.index_cast %get3A_457 : i32 to index
              %swap3A_462 = arith.constant 0 : index
              %swap3A_463 = tpu.vector_load %arg9[%swap3A_461, %swap3A_462] {strides = array<i32>} : memref<64x256xf32, #tpu.memory_space<vmem>>, vector<1x16xf32>,
              %swap3A_464 = vector.shape_cast %swap3A_463 : vector<1x16xf32> to vector<16xf32>
              %swap3A_465 = vector.shape_cast %get3A_460 : vector<16xf32> to vector<1x16xf32>
              tpu.vector_store %arg9[%swap3A_461, %swap3A_462], %swap3A_465 {strides = array<i32>} : memref<64x256xf32, #tpu.memory_space<vmem>>, vector<1x16xf32>,
              %swap3A_466 = arith.constant 0 : index
              %swap3A_467 = tpu.vector_load %arg10[%swap3A_466] {strides = array<i32>} : memref<256xf32, #tpu.memory_space<vmem>>, vector<16xf32>,
              %swap3A_468 = vector.shape_cast %swap3A_467 : vector<16xf32> to vector<16xf32>
              %swap3A_469 = vector.shape_cast %broadcast_in_dim3A_14 : vector<16xf32> to vector<16xf32>
              tpu.vector_store %arg10[%swap3A_466], %swap3A_469 {strides = array<i32>} : memref<256xf32, #tpu.memory_space<vmem>>, vector<16xf32>,
              %get3A_470 = arith.constant 16 : index
              %get3A_471 = tpu.vector_load %arg10[%get3A_470] {strides = array<i32>} : memref<256xf32, #tpu.memory_space<vmem>>, vector<16xf32>,
              %get3A_472 = vector.shape_cast %get3A_471 : vector<16xf32> to vector<16xf32>
              %swap3A_473 = arith.index_cast %get3A_457 : i32 to index
              %swap3A_474 = arith.constant 16 : index
              %swap3A_475 = tpu.vector_load %arg9[%swap3A_473, %swap3A_474] {strides = array<i32>} : memref<64x256xf32, #tpu.memory_space<vmem>>, vector<1x16xf32>,
              %swap3A_476 = vector.shape_cast %swap3A_475 : vector<1x16xf32> to vector<16xf32>
              %swap3A_477 = vector.shape_cast %get3A_472 : vector<16xf32> to vector<1x16xf32>
              tpu.vector_store %arg9[%swap3A_473, %swap3A_474], %swap3A_477 {strides = array<i32>} : memref<64x256xf32, #tpu.memory_space<vmem>>, vector<1x16xf32>,
              %swap3A_478 = arith.constant 16 : index
              %swap3A_479 = tpu.vector_load %arg10[%swap3A_478] {strides = array<i32>} : memref<256xf32, #tpu.memory_space<vmem>>, vector<16xf32>,
              %swap3A_480 = vector.shape_cast %swap3A_479 : vector<16xf32> to vector<16xf32>
              %swap3A_481 = vector.shape_cast %broadcast_in_dim3A_14 : vector<16xf32> to vector<16xf32>
              tpu.vector_store %arg10[%swap3A_478], %swap3A_481 {strides = array<i32>} : memref<256xf32, #tpu.memory_space<vmem>>, vector<16xf32>,
              %get3A_482 = arith.constant 32 : index
              %get3A_483 = tpu.vector_load %arg10[%get3A_482] {strides = array<i32>} : memref<256xf32, #tpu.memory_space<vmem>>, vector<16xf32>,
              %get3A_484 = vector.shape_cast %get3A_483 : vector<16xf32> to vector<16xf32>
              %swap3A_485 = arith.index_cast %get3A_457 : i32 to index
              %swap3A_486 = arith.constant 32 : index
              %swap3A_487 = tpu.vector_load %arg9[%swap3A_485, %swap3A_486] {strides = array<i32>} : memref<64x256xf32, #tpu.memory_space<vmem>>, vector<1x16xf32>,
              %swap3A_488 = vector.shape_cast %swap3A_487 : vector<1x16xf32> to vector<16xf32>
              %swap3A_489 = vector.shape_cast %get3A_484 : vector<16xf32> to vector<1x16xf32>
              tpu.vector_store %arg9[%swap3A_485, %swap3A_486], %swap3A_489 {strides = array<i32>} : memref<64x256xf32, #tpu.memory_space<vmem>>, vector<1x16xf32>,
              %swap3A_490 = arith.constant 32 : index
              %swap3A_491 = tpu.vector_load %arg10[%swap3A_490] {strides = array<i32>} : memref<256xf32, #tpu.memory_space<vmem>>, vector<16xf32>,
              %swap3A_492 = vector.shape_cast %swap3A_491 : vector<16xf32> to vector<16xf32>
              %swap3A_493 = vector.shape_cast %broadcast_in_dim3A_14 : vector<16xf32> to vector<16xf32>
              tpu.vector_store %arg10[%swap3A_490], %swap3A_493 {strides = array<i32>} : memref<256xf32, #tpu.memory_space<vmem>>, vector<16xf32>,
              %get3A_494 = arith.constant 48 : index
              %get3A_495 = tpu.vector_load %arg10[%get3A_494] {strides = array<i32>} : memref<256xf32, #tpu.memory_space<vmem>>, vector<16xf32>,
              %get3A_496 = vector.shape_cast %get3A_495 : vector<16xf32> to vector<16xf32>
              %swap3A_497 = arith.index_cast %get3A_457 : i32 to index
              %swap3A_498 = arith.constant 48 : index
              %swap3A_499 = tpu.vector_load %arg9[%swap3A_497, %swap3A_498] {strides = array<i32>} : memref<64x256xf32, #tpu.memory_space<vmem>>, vector<1x16xf32>,
              %swap3A_500 = vector.shape_cast %swap3A_499 : vector<1x16xf32> to vector<16xf32>
              %swap3A_501 = vector.shape_cast %get3A_496 : vector<16xf32> to vector<1x16xf32>
              tpu.vector_store %arg9[%swap3A_497, %swap3A_498], %swap3A_501 {strides = array<i32>} : memref<64x256xf32, #tpu.memory_space<vmem>>, vector<1x16xf32>,
              %swap3A_502 = arith.constant 48 : index
              %swap3A_503 = tpu.vector_load %arg10[%swap3A_502] {strides = array<i32>} : memref<256xf32, #tpu.memory_space<vmem>>, vector<16xf32>,
              %swap3A_504 = vector.shape_cast %swap3A_503 : vector<16xf32> to vector<16xf32>
              %swap3A_505 = vector.shape_cast %broadcast_in_dim3A_14 : vector<16xf32> to vector<16xf32>
              tpu.vector_store %arg10[%swap3A_502], %swap3A_505 {strides = array<i32>} : memref<256xf32, #tpu.memory_space<vmem>>, vector<16xf32>,
              %get3A_506 = arith.constant 64 : index
              %get3A_507 = tpu.vector_load %arg10[%get3A_506] {strides = array<i32>} : memref<256xf32, #tpu.memory_space<vmem>>, vector<16xf32>,
              %get3A_508 = vector.shape_cast %get3A_507 : vector<16xf32> to vector<16xf32>
              %swap3A_509 = arith.index_cast %get3A_457 : i32 to index
              %swap3A_510 = arith.constant 64 : index
              %swap3A_511 = tpu.vector_load %arg9[%swap3A_509, %swap3A_510] {strides = array<i32>} : memref<64x256xf32, #tpu.memory_space<vmem>>, vector<1x16xf32>,
              %swap3A_512 = vector.shape_cast %swap3A_511 : vector<1x16xf32> to vector<16xf32>
              %swap3A_513 = vector.shape_cast %get3A_508 : vector<16xf32> to vector<1x16xf32>
              tpu.vector_store %arg9[%swap3A_509, %swap3A_510], %swap3A_513 {strides = array<i32>} : memref<64x256xf32, #tpu.memory_space<vmem>>, vector<1x16xf32>,
              %swap3A_514 = arith.constant 64 : index
              %swap3A_515 = tpu.vector_load %arg10[%swap3A_514] {strides = array<i32>} : memref<256xf32, #tpu.memory_space<vmem>>, vector<16xf32>,
              %swap3A_516 = vector.shape_cast %swap3A_515 : vector<16xf32> to vector<16xf32>
              %swap3A_517 = vector.shape_cast %broadcast_in_dim3A_14 : vector<16xf32> to vector<16xf32>
              tpu.vector_store %arg10[%swap3A_514], %swap3A_517 {strides = array<i32>} : memref<256xf32, #tpu.memory_space<vmem>>, vector<16xf32>,
              %get3A_518 = arith.constant 80 : index
              %get3A_519 = tpu.vector_load %arg10[%get3A_518] {strides = array<i32>} : memref<256xf32, #tpu.memory_space<vmem>>, vector<16xf32>,
              %get3A_520 = vector.shape_cast %get3A_519 : vector<16xf32> to vector<16xf32>
              %swap3A_521 = arith.index_cast %get3A_457 : i32 to index
              %swap3A_522 = arith.constant 80 : index
              %swap3A_523 = tpu.vector_load %arg9[%swap3A_521, %swap3A_522] {strides = array<i32>} : memref<64x256xf32, #tpu.memory_space<vmem>>, vector<1x16xf32>,
              %swap3A_524 = vector.shape_cast %swap3A_523 : vector<1x16xf32> to vector<16xf32>
              %swap3A_525 = vector.shape_cast %get3A_520 : vector<16xf32> to vector<1x16xf32>
              tpu.vector_store %arg9[%swap3A_521, %swap3A_522], %swap3A_525 {strides = array<i32>} : memref<64x256xf32, #tpu.memory_space<vmem>>, vector<1x16xf32>,
              %swap3A_526 = arith.constant 80 : index
              %swap3A_527 = tpu.vector_load %arg10[%swap3A_526] {strides = array<i32>} : memref<256xf32, #tpu.memory_space<vmem>>, vector<16xf32>,
              %swap3A_528 = vector.shape_cast %swap3A_527 : vector<16xf32> to vector<16xf32>
              %swap3A_529 = vector.shape_cast %broadcast_in_dim3A_14 : vector<16xf32> to vector<16xf32>
              tpu.vector_store %arg10[%swap3A_526], %swap3A_529 {strides = array<i32>} : memref<256xf32, #tpu.memory_space<vmem>>, vector<16xf32>,
              %get3A_530 = arith.constant 96 : index
              %get3A_531 = tpu.vector_load %arg10[%get3A_530] {strides = array<i32>} : memref<256xf32, #tpu.memory_space<vmem>>, vector<16xf32>,
              %get3A_532 = vector.shape_cast %get3A_531 : vector<16xf32> to vector<16xf32>
              %swap3A_533 = arith.index_cast %get3A_457 : i32 to index
              %swap3A_534 = arith.constant 96 : index
              %swap3A_535 = tpu.vector_load %arg9[%swap3A_533, %swap3A_534] {strides = array<i32>} : memref<64x256xf32, #tpu.memory_space<vmem>>, vector<1x16xf32>,
              %swap3A_536 = vector.shape_cast %swap3A_535 : vector<1x16xf32> to vector<16xf32>
              %swap3A_537 = vector.shape_cast %get3A_532 : vector<16xf32> to vector<1x16xf32>
              tpu.vector_store %arg9[%swap3A_533, %swap3A_534], %swap3A_537 {strides = array<i32>} : memref<64x256xf32, #tpu.memory_space<vmem>>, vector<1x16xf32>,
              %swap3A_538 = arith.constant 96 : index
              %swap3A_539 = tpu.vector_load %arg10[%swap3A_538] {strides = array<i32>} : memref<256xf32, #tpu.memory_space<vmem>>, vector<16xf32>,
              %swap3A_540 = vector.shape_cast %swap3A_539 : vector<16xf32> to vector<16xf32>
              %swap3A_541 = vector.shape_cast %broadcast_in_dim3A_14 : vector<16xf32> to vector<16xf32>
              tpu.vector_store %arg10[%swap3A_538], %swap3A_541 {strides = array<i32>} : memref<256xf32, #tpu.memory_space<vmem>>, vector<16xf32>,
              %get3A_542 = arith.constant 112 : index
              %get3A_543 = tpu.vector_load %arg10[%get3A_542] {strides = array<i32>} : memref<256xf32, #tpu.memory_space<vmem>>, vector<16xf32>,
              %get3A_544 = vector.shape_cast %get3A_543 : vector<16xf32> to vector<16xf32>
              %swap3A_545 = arith.index_cast %get3A_457 : i32 to index
              %swap3A_546 = arith.constant 112 : index
              %swap3A_547 = tpu.vector_load %arg9[%swap3A_545, %swap3A_546] {strides = array<i32>} : memref<64x256xf32, #tpu.memory_space<vmem>>, vector<1x16xf32>,
              %swap3A_548 = vector.shape_cast %swap3A_547 : vector<1x16xf32> to vector<16xf32>
              %swap3A_549 = vector.shape_cast %get3A_544 : vector<16xf32> to vector<1x16xf32>
              tpu.vector_store %arg9[%swap3A_545, %swap3A_546], %swap3A_549 {strides = array<i32>} : memref<64x256xf32, #tpu.memory_space<vmem>>, vector<1x16xf32>,
              %swap3A_550 = arith.constant 112 : index
              %swap3A_551 = tpu.vector_load %arg10[%swap3A_550] {strides = array<i32>} : memref<256xf32, #tpu.memory_space<vmem>>, vector<16xf32>,
              %swap3A_552 = vector.shape_cast %swap3A_551 : vector<16xf32> to vector<16xf32>
              %swap3A_553 = vector.shape_cast %broadcast_in_dim3A_14 : vector<16xf32> to vector<16xf32>
              tpu.vector_store %arg10[%swap3A_550], %swap3A_553 {strides = array<i32>} : memref<256xf32, #tpu.memory_space<vmem>>, vector<16xf32>,
              %get3A_554 = arith.constant 128 : index
              %get3A_555 = tpu.vector_load %arg10[%get3A_554] {strides = array<i32>} : memref<256xf32, #tpu.memory_space<vmem>>, vector<16xf32>,
              %get3A_556 = vector.shape_cast %get3A_555 : vector<16xf32> to vector<16xf32>
              %swap3A_557 = arith.index_cast %get3A_457 : i32 to index
              %swap3A_558 = arith.constant 128 : index
              %swap3A_559 = tpu.vector_load %arg9[%swap3A_557, %swap3A_558] {strides = array<i32>} : memref<64x256xf32, #tpu.memory_space<vmem>>, vector<1x16xf32>,
              %swap3A_560 = vector.shape_cast %swap3A_559 : vector<1x16xf32> to vector<16xf32>
              %swap3A_561 = vector.shape_cast %get3A_556 : vector<16xf32> to vector<1x16xf32>
              tpu.vector_store %arg9[%swap3A_557, %swap3A_558], %swap3A_561 {strides = array<i32>} : memref<64x256xf32, #tpu.memory_space<vmem>>, vector<1x16xf32>,
              %swap3A_562 = arith.constant 128 : index
              %swap3A_563 = tpu.vector_load %arg10[%swap3A_562] {strides = array<i32>} : memref<256xf32, #tpu.memory_space<vmem>>, vector<16xf32>,
              %swap3A_564 = vector.shape_cast %swap3A_563 : vector<16xf32> to vector<16xf32>
              %swap3A_565 = vector.shape_cast %broadcast_in_dim3A_14 : vector<16xf32> to vector<16xf32>
              tpu.vector_store %arg10[%swap3A_562], %swap3A_565 {strides = array<i32>} : memref<256xf32, #tpu.memory_space<vmem>>, vector<16xf32>,
              %get3A_566 = arith.constant 144 : index
              %get3A_567 = tpu.vector_load %arg10[%get3A_566] {strides = array<i32>} : memref<256xf32, #tpu.memory_space<vmem>>, vector<16xf32>,
              %get3A_568 = vector.shape_cast %get3A_567 : vector<16xf32> to vector<16xf32>
              %swap3A_569 = arith.index_cast %get3A_457 : i32 to index
              %swap3A_570 = arith.constant 144 : index
              %swap3A_571 = tpu.vector_load %arg9[%swap3A_569, %swap3A_570] {strides = array<i32>} : memref<64x256xf32, #tpu.memory_space<vmem>>, vector<1x16xf32>,
              %swap3A_572 = vector.shape_cast %swap3A_571 : vector<1x16xf32> to vector<16xf32>
              %swap3A_573 = vector.shape_cast %get3A_568 : vector<16xf32> to vector<1x16xf32>
              tpu.vector_store %arg9[%swap3A_569, %swap3A_570], %swap3A_573 {strides = array<i32>} : memref<64x256xf32, #tpu.memory_space<vmem>>, vector<1x16xf32>,
              %swap3A_574 = arith.constant 144 : index
              %swap3A_575 = tpu.vector_load %arg10[%swap3A_574] {strides = array<i32>} : memref<256xf32, #tpu.memory_space<vmem>>, vector<16xf32>,
              %swap3A_576 = vector.shape_cast %swap3A_575 : vector<16xf32> to vector<16xf32>
              %swap3A_577 = vector.shape_cast %broadcast_in_dim3A_14 : vector<16xf32> to vector<16xf32>
              tpu.vector_store %arg10[%swap3A_574], %swap3A_577 {strides = array<i32>} : memref<256xf32, #tpu.memory_space<vmem>>, vector<16xf32>,
              %get3A_578 = arith.constant 160 : index
              %get3A_579 = tpu.vector_load %arg10[%get3A_578] {strides = array<i32>} : memref<256xf32, #tpu.memory_space<vmem>>, vector<16xf32>,
              %get3A_580 = vector.shape_cast %get3A_579 : vector<16xf32> to vector<16xf32>
              %swap3A_581 = arith.index_cast %get3A_457 : i32 to index
              %swap3A_582 = arith.constant 160 : index
              %swap3A_583 = tpu.vector_load %arg9[%swap3A_581, %swap3A_582] {strides = array<i32>} : memref<64x256xf32, #tpu.memory_space<vmem>>, vector<1x16xf32>,
              %swap3A_584 = vector.shape_cast %swap3A_583 : vector<1x16xf32> to vector<16xf32>
              %swap3A_585 = vector.shape_cast %get3A_580 : vector<16xf32> to vector<1x16xf32>
              tpu.vector_store %arg9[%swap3A_581, %swap3A_582], %swap3A_585 {strides = array<i32>} : memref<64x256xf32, #tpu.memory_space<vmem>>, vector<1x16xf32>,
              %swap3A_586 = arith.constant 160 : index
              %swap3A_587 = tpu.vector_load %arg10[%swap3A_586] {strides = array<i32>} : memref<256xf32, #tpu.memory_space<vmem>>, vector<16xf32>,
              %swap3A_588 = vector.shape_cast %swap3A_587 : vector<16xf32> to vector<16xf32>
              %swap3A_589 = vector.shape_cast %broadcast_in_dim3A_14 : vector<16xf32> to vector<16xf32>
              tpu.vector_store %arg10[%swap3A_586], %swap3A_589 {strides = array<i32>} : memref<256xf32, #tpu.memory_space<vmem>>, vector<16xf32>,
              %get3A_590 = arith.constant 176 : index
              %get3A_591 = tpu.vector_load %arg10[%get3A_590] {strides = array<i32>} : memref<256xf32, #tpu.memory_space<vmem>>, vector<16xf32>,
              %get3A_592 = vector.shape_cast %get3A_591 : vector<16xf32> to vector<16xf32>
              %swap3A_593 = arith.index_cast %get3A_457 : i32 to index
              %swap3A_594 = arith.constant 176 : index
              %swap3A_595 = tpu.vector_load %arg9[%swap3A_593, %swap3A_594] {strides = array<i32>} : memref<64x256xf32, #tpu.memory_space<vmem>>, vector<1x16xf32>,
              %swap3A_596 = vector.shape_cast %swap3A_595 : vector<1x16xf32> to vector<16xf32>
              %swap3A_597 = vector.shape_cast %get3A_592 : vector<16xf32> to vector<1x16xf32>
              tpu.vector_store %arg9[%swap3A_593, %swap3A_594], %swap3A_597 {strides = array<i32>} : memref<64x256xf32, #tpu.memory_space<vmem>>, vector<1x16xf32>,
              %swap3A_598 = arith.constant 176 : index
              %swap3A_599 = tpu.vector_load %arg10[%swap3A_598] {strides = array<i32>} : memref<256xf32, #tpu.memory_space<vmem>>, vector<16xf32>,
              %swap3A_600 = vector.shape_cast %swap3A_599 : vector<16xf32> to vector<16xf32>
              %swap3A_601 = vector.shape_cast %broadcast_in_dim3A_14 : vector<16xf32> to vector<16xf32>
              tpu.vector_store %arg10[%swap3A_598], %swap3A_601 {strides = array<i32>} : memref<256xf32, #tpu.memory_space<vmem>>, vector<16xf32>,
              %get3A_602 = arith.constant 192 : index
              %get3A_603 = tpu.vector_load %arg10[%get3A_602] {strides = array<i32>} : memref<256xf32, #tpu.memory_space<vmem>>, vector<16xf32>,
              %get3A_604 = vector.shape_cast %get3A_603 : vector<16xf32> to vector<16xf32>
              %swap3A_605 = arith.index_cast %get3A_457 : i32 to index
              %swap3A_606 = arith.constant 192 : index
              %swap3A_607 = tpu.vector_load %arg9[%swap3A_605, %swap3A_606] {strides = array<i32>} : memref<64x256xf32, #tpu.memory_space<vmem>>, vector<1x16xf32>,
              %swap3A_608 = vector.shape_cast %swap3A_607 : vector<1x16xf32> to vector<16xf32>
              %swap3A_609 = vector.shape_cast %get3A_604 : vector<16xf32> to vector<1x16xf32>
              tpu.vector_store %arg9[%swap3A_605, %swap3A_606], %swap3A_609 {strides = array<i32>} : memref<64x256xf32, #tpu.memory_space<vmem>>, vector<1x16xf32>,
              %swap3A_610 = arith.constant 192 : index
              %swap3A_611 = tpu.vector_load %arg10[%swap3A_610] {strides = array<i32>} : memref<256xf32, #tpu.memory_space<vmem>>, vector<16xf32>,
              %swap3A_612 = vector.shape_cast %swap3A_611 : vector<16xf32> to vector<16xf32>
              %swap3A_613 = vector.shape_cast %broadcast_in_dim3A_14 : vector<16xf32> to vector<16xf32>
              tpu.vector_store %arg10[%swap3A_610], %swap3A_613 {strides = array<i32>} : memref<256xf32, #tpu.memory_space<vmem>>, vector<16xf32>,
              %get3A_614 = arith.constant 208 : index
              %get3A_615 = tpu.vector_load %arg10[%get3A_614] {strides = array<i32>} : memref<256xf32, #tpu.memory_space<vmem>>, vector<16xf32>,
              %get3A_616 = vector.shape_cast %get3A_615 : vector<16xf32> to vector<16xf32>
              %swap3A_617 = arith.index_cast %get3A_457 : i32 to index
              %swap3A_618 = arith.constant 208 : index
              %swap3A_619 = tpu.vector_load %arg9[%swap3A_617, %swap3A_618] {strides = array<i32>} : memref<64x256xf32, #tpu.memory_space<vmem>>, vector<1x16xf32>,
              %swap3A_620 = vector.shape_cast %swap3A_619 : vector<1x16xf32> to vector<16xf32>
              %swap3A_621 = vector.shape_cast %get3A_616 : vector<16xf32> to vector<1x16xf32>
              tpu.vector_store %arg9[%swap3A_617, %swap3A_618], %swap3A_621 {strides = array<i32>} : memref<64x256xf32, #tpu.memory_space<vmem>>, vector<1x16xf32>,
              %swap3A_622 = arith.constant 208 : index
              %swap3A_623 = tpu.vector_load %arg10[%swap3A_622] {strides = array<i32>} : memref<256xf32, #tpu.memory_space<vmem>>, vector<16xf32>,
              %swap3A_624 = vector.shape_cast %swap3A_623 : vector<16xf32> to vector<16xf32>
              %swap3A_625 = vector.shape_cast %broadcast_in_dim3A_14 : vector<16xf32> to vector<16xf32>
              tpu.vector_store %arg10[%swap3A_622], %swap3A_625 {strides = array<i32>} : memref<256xf32, #tpu.memory_space<vmem>>, vector<16xf32>,
              %get3A_626 = arith.constant 224 : index
              %get3A_627 = tpu.vector_load %arg10[%get3A_626] {strides = array<i32>} : memref<256xf32, #tpu.memory_space<vmem>>, vector<16xf32>,
              %get3A_628 = vector.shape_cast %get3A_627 : vector<16xf32> to vector<16xf32>
              %swap3A_629 = arith.index_cast %get3A_457 : i32 to index
              %swap3A_630 = arith.constant 224 : index
              %swap3A_631 = tpu.vector_load %arg9[%swap3A_629, %swap3A_630] {strides = array<i32>} : memref<64x256xf32, #tpu.memory_space<vmem>>, vector<1x16xf32>,
              %swap3A_632 = vector.shape_cast %swap3A_631 : vector<1x16xf32> to vector<16xf32>
              %swap3A_633 = vector.shape_cast %get3A_628 : vector<16xf32> to vector<1x16xf32>
              tpu.vector_store %arg9[%swap3A_629, %swap3A_630], %swap3A_633 {strides = array<i32>} : memref<64x256xf32, #tpu.memory_space<vmem>>, vector<1x16xf32>,
              %swap3A_634 = arith.constant 224 : index
              %swap3A_635 = tpu.vector_load %arg10[%swap3A_634] {strides = array<i32>} : memref<256xf32, #tpu.memory_space<vmem>>, vector<16xf32>,
              %swap3A_636 = vector.shape_cast %swap3A_635 : vector<16xf32> to vector<16xf32>
              %swap3A_637 = vector.shape_cast %broadcast_in_dim3A_14 : vector<16xf32> to vector<16xf32>
              tpu.vector_store %arg10[%swap3A_634], %swap3A_637 {strides = array<i32>} : memref<256xf32, #tpu.memory_space<vmem>>, vector<16xf32>,
              %get3A_638 = arith.constant 240 : index
              %get3A_639 = tpu.vector_load %arg10[%get3A_638] {strides = array<i32>} : memref<256xf32, #tpu.memory_space<vmem>>, vector<16xf32>,
              %get3A_640 = vector.shape_cast %get3A_639 : vector<16xf32> to vector<16xf32>
              %swap3A_641 = arith.index_cast %get3A_457 : i32 to index
              %swap3A_642 = arith.constant 240 : index
              %swap3A_643 = tpu.vector_load %arg9[%swap3A_641, %swap3A_642] {strides = array<i32>} : memref<64x256xf32, #tpu.memory_space<vmem>>, vector<1x16xf32>,
              %swap3A_644 = vector.shape_cast %swap3A_643 : vector<1x16xf32> to vector<16xf32>
              %swap3A_645 = vector.shape_cast %get3A_640 : vector<16xf32> to vector<1x16xf32>
              tpu.vector_store %arg9[%swap3A_641, %swap3A_642], %swap3A_645 {strides = array<i32>} : memref<64x256xf32, #tpu.memory_space<vmem>>, vector<1x16xf32>,
              %swap3A_646 = arith.constant 240 : index
              %swap3A_647 = tpu.vector_load %arg10[%swap3A_646] {strides = array<i32>} : memref<256xf32, #tpu.memory_space<vmem>>, vector<16xf32>,
              %swap3A_648 = vector.shape_cast %swap3A_647 : vector<16xf32> to vector<16xf32>
              %swap3A_649 = vector.shape_cast %broadcast_in_dim3A_14 : vector<16xf32> to vector<16xf32>
              tpu.vector_store %arg10[%swap3A_646], %swap3A_649 {strides = array<i32>} : memref<256xf32, #tpu.memory_space<vmem>>, vector<16xf32>,
              %swap3A_650 = arith.constant 0 : i32
              %swap3A_651 = arith.index_cast %swap3A_650 : i32 to index
              %swap3A_652 = memref.load %arg11[%swap3A_651] : memref<1xi32, #tpu.memory_space<smem>>
              memref.store %squeeze3A_277, %arg11[%swap3A_651] : memref<1xi32, #tpu.memory_space<smem>>
            } else {
            }
            %get3A_295 = arith.index_cast %add3A_288 : i32 to index
            %get3A_296 = arith.constant 0 : index
            %get3A_297 = tpu.vector_load %arg6[%get3A_295, %get3A_296] {strides = array<i32>} : memref<128x256xf32, #tpu.memory_space<vmem>>, vector<1x16xf32>,
            %get3A_298 = vector.shape_cast %get3A_297 : vector<1x16xf32> to vector<16xf32>
            %mul3A_299 = vector.broadcast %squeeze3A_283 : f32 to vector<16xf32>
            %mul3A_300 = arith.mulf %get3A_298, %mul3A_299 : vector<16xf32>
            %swap3A_301 = arith.constant 0 : index
            %swap3A_302 = tpu.vector_load %arg10[%swap3A_301] {strides = array<i32>} : memref<256xf32, #tpu.memory_space<vmem>>, vector<16xf32>,
            %swap3A_303 = vector.shape_cast %swap3A_302 : vector<16xf32> to vector<16xf32>
            %swap3A_304 = vector.shape_cast %mul3A_300 : vector<16xf32> to vector<16xf32>
            tpu.vector_store %arg10[%swap3A_301], %swap3A_304 {add = true, strides = array<i32>} : memref<256xf32, #tpu.memory_space<vmem>>, vector<16xf32>,
            %get3A_305 = arith.index_cast %add3A_288 : i32 to index
            %get3A_306 = arith.constant 16 : index
            %get3A_307 = tpu.vector_load %arg6[%get3A_305, %get3A_306] {strides = array<i32>} : memref<128x256xf32, #tpu.memory_space<vmem>>, vector<1x16xf32>,
            %get3A_308 = vector.shape_cast %get3A_307 : vector<1x16xf32> to vector<16xf32>
            %mul3A_309 = vector.broadcast %squeeze3A_283 : f32 to vector<16xf32>
            %mul3A_310 = arith.mulf %get3A_308, %mul3A_309 : vector<16xf32>
            %swap3A_311 = arith.constant 16 : index
            %swap3A_312 = tpu.vector_load %arg10[%swap3A_311] {strides = array<i32>} : memref<256xf32, #tpu.memory_space<vmem>>, vector<16xf32>,
            %swap3A_313 = vector.shape_cast %swap3A_312 : vector<16xf32> to vector<16xf32>
            %swap3A_314 = vector.shape_cast %mul3A_310 : vector<16xf32> to vector<16xf32>
            tpu.vector_store %arg10[%swap3A_311], %swap3A_314 {add = true, strides = array<i32>} : memref<256xf32, #tpu.memory_space<vmem>>, vector<16xf32>,
            %get3A_315 = arith.index_cast %add3A_288 : i32 to index
            %get3A_316 = arith.constant 32 : index
            %get3A_317 = tpu.vector_load %arg6[%get3A_315, %get3A_316] {strides = array<i32>} : memref<128x256xf32, #tpu.memory_space<vmem>>, vector<1x16xf32>,
            %get3A_318 = vector.shape_cast %get3A_317 : vector<1x16xf32> to vector<16xf32>
            %mul3A_319 = vector.broadcast %squeeze3A_283 : f32 to vector<16xf32>
            %mul3A_320 = arith.mulf %get3A_318, %mul3A_319 : vector<16xf32>
            %swap3A_321 = arith.constant 32 : index
            %swap3A_322 = tpu.vector_load %arg10[%swap3A_321] {strides = array<i32>} : memref<256xf32, #tpu.memory_space<vmem>>, vector<16xf32>,
            %swap3A_323 = vector.shape_cast %swap3A_322 : vector<16xf32> to vector<16xf32>
            %swap3A_324 = vector.shape_cast %mul3A_320 : vector<16xf32> to vector<16xf32>
            tpu.vector_store %arg10[%swap3A_321], %swap3A_324 {add = true, strides = array<i32>} : memref<256xf32, #tpu.memory_space<vmem>>, vector<16xf32>,
            %get3A_325 = arith.index_cast %add3A_288 : i32 to index
            %get3A_326 = arith.constant 48 : index
            %get3A_327 = tpu.vector_load %arg6[%get3A_325, %get3A_326] {strides = array<i32>} : memref<128x256xf32, #tpu.memory_space<vmem>>, vector<1x16xf32>,
            %get3A_328 = vector.shape_cast %get3A_327 : vector<1x16xf32> to vector<16xf32>
            %mul3A_329 = vector.broadcast %squeeze3A_283 : f32 to vector<16xf32>
            %mul3A_330 = arith.mulf %get3A_328, %mul3A_329 : vector<16xf32>
            %swap3A_331 = arith.constant 48 : index
            %swap3A_332 = tpu.vector_load %arg10[%swap3A_331] {strides = array<i32>} : memref<256xf32, #tpu.memory_space<vmem>>, vector<16xf32>,
            %swap3A_333 = vector.shape_cast %swap3A_332 : vector<16xf32> to vector<16xf32>
            %swap3A_334 = vector.shape_cast %mul3A_330 : vector<16xf32> to vector<16xf32>
            tpu.vector_store %arg10[%swap3A_331], %swap3A_334 {add = true, strides = array<i32>} : memref<256xf32, #tpu.memory_space<vmem>>, vector<16xf32>,
            %get3A_335 = arith.index_cast %add3A_288 : i32 to index
            %get3A_336 = arith.constant 64 : index
            %get3A_337 = tpu.vector_load %arg6[%get3A_335, %get3A_336] {strides = array<i32>} : memref<128x256xf32, #tpu.memory_space<vmem>>, vector<1x16xf32>,
            %get3A_338 = vector.shape_cast %get3A_337 : vector<1x16xf32> to vector<16xf32>
            %mul3A_339 = vector.broadcast %squeeze3A_283 : f32 to vector<16xf32>
            %mul3A_340 = arith.mulf %get3A_338, %mul3A_339 : vector<16xf32>
            %swap3A_341 = arith.constant 64 : index
            %swap3A_342 = tpu.vector_load %arg10[%swap3A_341] {strides = array<i32>} : memref<256xf32, #tpu.memory_space<vmem>>, vector<16xf32>,
            %swap3A_343 = vector.shape_cast %swap3A_342 : vector<16xf32> to vector<16xf32>
            %swap3A_344 = vector.shape_cast %mul3A_340 : vector<16xf32> to vector<16xf32>
            tpu.vector_store %arg10[%swap3A_341], %swap3A_344 {add = true, strides = array<i32>} : memref<256xf32, #tpu.memory_space<vmem>>, vector<16xf32>,
            %get3A_345 = arith.index_cast %add3A_288 : i32 to index
            %get3A_346 = arith.constant 80 : index
            %get3A_347 = tpu.vector_load %arg6[%get3A_345, %get3A_346] {strides = array<i32>} : memref<128x256xf32, #tpu.memory_space<vmem>>, vector<1x16xf32>,
            %get3A_348 = vector.shape_cast %get3A_347 : vector<1x16xf32> to vector<16xf32>
            %mul3A_349 = vector.broadcast %squeeze3A_283 : f32 to vector<16xf32>
            %mul3A_350 = arith.mulf %get3A_348, %mul3A_349 : vector<16xf32>
            %swap3A_351 = arith.constant 80 : index
            %swap3A_352 = tpu.vector_load %arg10[%swap3A_351] {strides = array<i32>} : memref<256xf32, #tpu.memory_space<vmem>>, vector<16xf32>,
            %swap3A_353 = vector.shape_cast %swap3A_352 : vector<16xf32> to vector<16xf32>
            %swap3A_354 = vector.shape_cast %mul3A_350 : vector<16xf32> to vector<16xf32>
            tpu.vector_store %arg10[%swap3A_351], %swap3A_354 {add = true, strides = array<i32>} : memref<256xf32, #tpu.memory_space<vmem>>, vector<16xf32>,
            %get3A_355 = arith.index_cast %add3A_288 : i32 to index
            %get3A_356 = arith.constant 96 : index
            %get3A_357 = tpu.vector_load %arg6[%get3A_355, %get3A_356] {strides = array<i32>} : memref<128x256xf32, #tpu.memory_space<vmem>>, vector<1x16xf32>,
            %get3A_358 = vector.shape_cast %get3A_357 : vector<1x16xf32> to vector<16xf32>
            %mul3A_359 = vector.broadcast %squeeze3A_283 : f32 to vector<16xf32>
            %mul3A_360 = arith.mulf %get3A_358, %mul3A_359 : vector<16xf32>
            %swap3A_361 = arith.constant 96 : index
            %swap3A_362 = tpu.vector_load %arg10[%swap3A_361] {strides = array<i32>} : memref<256xf32, #tpu.memory_space<vmem>>, vector<16xf32>,
            %swap3A_363 = vector.shape_cast %swap3A_362 : vector<16xf32> to vector<16xf32>
            %swap3A_364 = vector.shape_cast %mul3A_360 : vector<16xf32> to vector<16xf32>
            tpu.vector_store %arg10[%swap3A_361], %swap3A_364 {add = true, strides = array<i32>} : memref<256xf32, #tpu.memory_space<vmem>>, vector<16xf32>,
            %get3A_365 = arith.index_cast %add3A_288 : i32 to index
            %get3A_366 = arith.constant 112 : index
            %get3A_367 = tpu.vector_load %arg6[%get3A_365, %get3A_366] {strides = array<i32>} : memref<128x256xf32, #tpu.memory_space<vmem>>, vector<1x16xf32>,
            %get3A_368 = vector.shape_cast %get3A_367 : vector<1x16xf32> to vector<16xf32>
            %mul3A_369 = vector.broadcast %squeeze3A_283 : f32 to vector<16xf32>
            %mul3A_370 = arith.mulf %get3A_368, %mul3A_369 : vector<16xf32>
            %swap3A_371 = arith.constant 112 : index
            %swap3A_372 = tpu.vector_load %arg10[%swap3A_371] {strides = array<i32>} : memref<256xf32, #tpu.memory_space<vmem>>, vector<16xf32>,
            %swap3A_373 = vector.shape_cast %swap3A_372 : vector<16xf32> to vector<16xf32>
            %swap3A_374 = vector.shape_cast %mul3A_370 : vector<16xf32> to vector<16xf32>
            tpu.vector_store %arg10[%swap3A_371], %swap3A_374 {add = true, strides = array<i32>} : memref<256xf32, #tpu.memory_space<vmem>>, vector<16xf32>,
            %get3A_375 = arith.index_cast %add3A_288 : i32 to index
            %get3A_376 = arith.constant 128 : index
            %get3A_377 = tpu.vector_load %arg6[%get3A_375, %get3A_376] {strides = array<i32>} : memref<128x256xf32, #tpu.memory_space<vmem>>, vector<1x16xf32>,
            %get3A_378 = vector.shape_cast %get3A_377 : vector<1x16xf32> to vector<16xf32>
            %mul3A_379 = vector.broadcast %squeeze3A_283 : f32 to vector<16xf32>
            %mul3A_380 = arith.mulf %get3A_378, %mul3A_379 : vector<16xf32>
            %swap3A_381 = arith.constant 128 : index
            %swap3A_382 = tpu.vector_load %arg10[%swap3A_381] {strides = array<i32>} : memref<256xf32, #tpu.memory_space<vmem>>, vector<16xf32>,
            %swap3A_383 = vector.shape_cast %swap3A_382 : vector<16xf32> to vector<16xf32>
            %swap3A_384 = vector.shape_cast %mul3A_380 : vector<16xf32> to vector<16xf32>
            tpu.vector_store %arg10[%swap3A_381], %swap3A_384 {add = true, strides = array<i32>} : memref<256xf32, #tpu.memory_space<vmem>>, vector<16xf32>,
            %get3A_385 = arith.index_cast %add3A_288 : i32 to index
            %get3A_386 = arith.constant 144 : index
            %get3A_387 = tpu.vector_load %arg6[%get3A_385, %get3A_386] {strides = array<i32>} : memref<128x256xf32, #tpu.memory_space<vmem>>, vector<1x16xf32>,
            %get3A_388 = vector.shape_cast %get3A_387 : vector<1x16xf32> to vector<16xf32>
            %mul3A_389 = vector.broadcast %squeeze3A_283 : f32 to vector<16xf32>
            %mul3A_390 = arith.mulf %get3A_388, %mul3A_389 : vector<16xf32>
            %swap3A_391 = arith.constant 144 : index
            %swap3A_392 = tpu.vector_load %arg10[%swap3A_391] {strides = array<i32>} : memref<256xf32, #tpu.memory_space<vmem>>, vector<16xf32>,
            %swap3A_393 = vector.shape_cast %swap3A_392 : vector<16xf32> to vector<16xf32>
            %swap3A_394 = vector.shape_cast %mul3A_390 : vector<16xf32> to vector<16xf32>
            tpu.vector_store %arg10[%swap3A_391], %swap3A_394 {add = true, strides = array<i32>} : memref<256xf32, #tpu.memory_space<vmem>>, vector<16xf32>,
            %get3A_395 = arith.index_cast %add3A_288 : i32 to index
            %get3A_396 = arith.constant 160 : index
            %get3A_397 = tpu.vector_load %arg6[%get3A_395, %get3A_396] {strides = array<i32>} : memref<128x256xf32, #tpu.memory_space<vmem>>, vector<1x16xf32>,
            %get3A_398 = vector.shape_cast %get3A_397 : vector<1x16xf32> to vector<16xf32>
            %mul3A_399 = vector.broadcast %squeeze3A_283 : f32 to vector<16xf32>
            %mul3A_400 = arith.mulf %get3A_398, %mul3A_399 : vector<16xf32>
            %swap3A_401 = arith.constant 160 : index
            %swap3A_402 = tpu.vector_load %arg10[%swap3A_401] {strides = array<i32>} : memref<256xf32, #tpu.memory_space<vmem>>, vector<16xf32>,
            %swap3A_403 = vector.shape_cast %swap3A_402 : vector<16xf32> to vector<16xf32>
            %swap3A_404 = vector.shape_cast %mul3A_400 : vector<16xf32> to vector<16xf32>
            tpu.vector_store %arg10[%swap3A_401], %swap3A_404 {add = true, strides = array<i32>} : memref<256xf32, #tpu.memory_space<vmem>>, vector<16xf32>,
            %get3A_405 = arith.index_cast %add3A_288 : i32 to index
            %get3A_406 = arith.constant 176 : index
            %get3A_407 = tpu.vector_load %arg6[%get3A_405, %get3A_406] {strides = array<i32>} : memref<128x256xf32, #tpu.memory_space<vmem>>, vector<1x16xf32>,
            %get3A_408 = vector.shape_cast %get3A_407 : vector<1x16xf32> to vector<16xf32>
            %mul3A_409 = vector.broadcast %squeeze3A_283 : f32 to vector<16xf32>
            %mul3A_410 = arith.mulf %get3A_408, %mul3A_409 : vector<16xf32>
            %swap3A_411 = arith.constant 176 : index
            %swap3A_412 = tpu.vector_load %arg10[%swap3A_411] {strides = array<i32>} : memref<256xf32, #tpu.memory_space<vmem>>, vector<16xf32>,
            %swap3A_413 = vector.shape_cast %swap3A_412 : vector<16xf32> to vector<16xf32>
            %swap3A_414 = vector.shape_cast %mul3A_410 : vector<16xf32> to vector<16xf32>
            tpu.vector_store %arg10[%swap3A_411], %swap3A_414 {add = true, strides = array<i32>} : memref<256xf32, #tpu.memory_space<vmem>>, vector<16xf32>,
            %get3A_415 = arith.index_cast %add3A_288 : i32 to index
            %get3A_416 = arith.constant 192 : index
            %get3A_417 = tpu.vector_load %arg6[%get3A_415, %get3A_416] {strides = array<i32>} : memref<128x256xf32, #tpu.memory_space<vmem>>, vector<1x16xf32>,
            %get3A_418 = vector.shape_cast %get3A_417 : vector<1x16xf32> to vector<16xf32>
            %mul3A_419 = vector.broadcast %squeeze3A_283 : f32 to vector<16xf32>
            %mul3A_420 = arith.mulf %get3A_418, %mul3A_419 : vector<16xf32>
            %swap3A_421 = arith.constant 192 : index
            %swap3A_422 = tpu.vector_load %arg10[%swap3A_421] {strides = array<i32>} : memref<256xf32, #tpu.memory_space<vmem>>, vector<16xf32>,
            %swap3A_423 = vector.shape_cast %swap3A_422 : vector<16xf32> to vector<16xf32>
            %swap3A_424 = vector.shape_cast %mul3A_420 : vector<16xf32> to vector<16xf32>
            tpu.vector_store %arg10[%swap3A_421], %swap3A_424 {add = true, strides = array<i32>} : memref<256xf32, #tpu.memory_space<vmem>>, vector<16xf32>,
            %get3A_425 = arith.index_cast %add3A_288 : i32 to index
            %get3A_426 = arith.constant 208 : index
            %get3A_427 = tpu.vector_load %arg6[%get3A_425, %get3A_426] {strides = array<i32>} : memref<128x256xf32, #tpu.memory_space<vmem>>, vector<1x16xf32>,
            %get3A_428 = vector.shape_cast %get3A_427 : vector<1x16xf32> to vector<16xf32>
            %mul3A_429 = vector.broadcast %squeeze3A_283 : f32 to vector<16xf32>
            %mul3A_430 = arith.mulf %get3A_428, %mul3A_429 : vector<16xf32>
            %swap3A_431 = arith.constant 208 : index
            %swap3A_432 = tpu.vector_load %arg10[%swap3A_431] {strides = array<i32>} : memref<256xf32, #tpu.memory_space<vmem>>, vector<16xf32>,
            %swap3A_433 = vector.shape_cast %swap3A_432 : vector<16xf32> to vector<16xf32>
            %swap3A_434 = vector.shape_cast %mul3A_430 : vector<16xf32> to vector<16xf32>
            tpu.vector_store %arg10[%swap3A_431], %swap3A_434 {add = true, strides = array<i32>} : memref<256xf32, #tpu.memory_space<vmem>>, vector<16xf32>,
            %get3A_435 = arith.index_cast %add3A_288 : i32 to index
            %get3A_436 = arith.constant 224 : index
            %get3A_437 = tpu.vector_load %arg6[%get3A_435, %get3A_436] {strides = array<i32>} : memref<128x256xf32, #tpu.memory_space<vmem>>, vector<1x16xf32>,
            %get3A_438 = vector.shape_cast %get3A_437 : vector<1x16xf32> to vector<16xf32>
            %mul3A_439 = vector.broadcast %squeeze3A_283 : f32 to vector<16xf32>
            %mul3A_440 = arith.mulf %get3A_438, %mul3A_439 : vector<16xf32>
            %swap3A_441 = arith.constant 224 : index
            %swap3A_442 = tpu.vector_load %arg10[%swap3A_441] {strides = array<i32>} : memref<256xf32, #tpu.memory_space<vmem>>, vector<16xf32>,
            %swap3A_443 = vector.shape_cast %swap3A_442 : vector<16xf32> to vector<16xf32>
            %swap3A_444 = vector.shape_cast %mul3A_440 : vector<16xf32> to vector<16xf32>
            tpu.vector_store %arg10[%swap3A_441], %swap3A_444 {add = true, strides = array<i32>} : memref<256xf32, #tpu.memory_space<vmem>>, vector<16xf32>,
            %get3A_445 = arith.index_cast %add3A_288 : i32 to index
            %get3A_446 = arith.constant 240 : index
            %get3A_447 = tpu.vector_load %arg6[%get3A_445, %get3A_446] {strides = array<i32>} : memref<128x256xf32, #tpu.memory_space<vmem>>, vector<1x16xf32>,
            %get3A_448 = vector.shape_cast %get3A_447 : vector<1x16xf32> to vector<16xf32>
            %mul3A_449 = vector.broadcast %squeeze3A_283 : f32 to vector<16xf32>
            %mul3A_450 = arith.mulf %get3A_448, %mul3A_449 : vector<16xf32>
            %swap3A_451 = arith.constant 240 : index
            %swap3A_452 = tpu.vector_load %arg10[%swap3A_451] {strides = array<i32>} : memref<256xf32, #tpu.memory_space<vmem>>, vector<16xf32>,
            %swap3A_453 = vector.shape_cast %swap3A_452 : vector<16xf32> to vector<16xf32>
            %swap3A_454 = vector.shape_cast %mul3A_450 : vector<16xf32> to vector<16xf32>
            tpu.vector_store %arg10[%swap3A_451], %swap3A_454 {add = true, strides = array<i32>} : memref<256xf32, #tpu.memory_space<vmem>>, vector<16xf32>,
          }
          %scan3A_270 = arith.constant 16 : i32
        } else {
        }
      }
      %scan3A_242 = arith.constant 8 : i32
    } else {
    }
    %get3A_107 = arith.constant 0 : i32
    %get3A_108 = arith.index_cast %get3A_107 : i32 to index
    %get3A_109 = memref.load %arg11[%get3A_108] : memref<1xi32, #tpu.memory_space<smem>>
    %get3A_110 = arith.constant 0 : index
    %get3A_111 = tpu.vector_load %arg10[%get3A_110] {strides = array<i32>} : memref<256xf32, #tpu.memory_space<vmem>>, vector<16xf32>,
    %get3A_112 = vector.shape_cast %get3A_111 : vector<16xf32> to vector<16xf32>
    %swap3A_113 = arith.index_cast %get3A_109 : i32 to index
    %swap3A_114 = arith.constant 0 : index
    %swap3A_115 = tpu.vector_load %arg9[%swap3A_113, %swap3A_114] {strides = array<i32>} : memref<64x256xf32, #tpu.memory_space<vmem>>, vector<1x16xf32>,
    %swap3A_116 = vector.shape_cast %swap3A_115 : vector<1x16xf32> to vector<16xf32>
    %swap3A_117 = vector.shape_cast %get3A_112 : vector<16xf32> to vector<1x16xf32>
    tpu.vector_store %arg9[%swap3A_113, %swap3A_114], %swap3A_117 {strides = array<i32>} : memref<64x256xf32, #tpu.memory_space<vmem>>, vector<1x16xf32>,
    %get3A_118 = arith.constant 16 : index
    %get3A_119 = tpu.vector_load %arg10[%get3A_118] {strides = array<i32>} : memref<256xf32, #tpu.memory_space<vmem>>, vector<16xf32>,
    %get3A_120 = vector.shape_cast %get3A_119 : vector<16xf32> to vector<16xf32>
    %swap3A_121 = arith.index_cast %get3A_109 : i32 to index
    %swap3A_122 = arith.constant 16 : index
    %swap3A_123 = tpu.vector_load %arg9[%swap3A_121, %swap3A_122] {strides = array<i32>} : memref<64x256xf32, #tpu.memory_space<vmem>>, vector<1x16xf32>,
    %swap3A_124 = vector.shape_cast %swap3A_123 : vector<1x16xf32> to vector<16xf32>
    %swap3A_125 = vector.shape_cast %get3A_120 : vector<16xf32> to vector<1x16xf32>
    tpu.vector_store %arg9[%swap3A_121, %swap3A_122], %swap3A_125 {strides = array<i32>} : memref<64x256xf32, #tpu.memory_space<vmem>>, vector<1x16xf32>,
    %get3A_126 = arith.constant 32 : index
    %get3A_127 = tpu.vector_load %arg10[%get3A_126] {strides = array<i32>} : memref<256xf32, #tpu.memory_space<vmem>>, vector<16xf32>,
    %get3A_128 = vector.shape_cast %get3A_127 : vector<16xf32> to vector<16xf32>
    %swap3A_129 = arith.index_cast %get3A_109 : i32 to index
    %swap3A_130 = arith.constant 32 : index
    %swap3A_131 = tpu.vector_load %arg9[%swap3A_129, %swap3A_130] {strides = array<i32>} : memref<64x256xf32, #tpu.memory_space<vmem>>, vector<1x16xf32>,
    %swap3A_132 = vector.shape_cast %swap3A_131 : vector<1x16xf32> to vector<16xf32>
    %swap3A_133 = vector.shape_cast %get3A_128 : vector<16xf32> to vector<1x16xf32>
    tpu.vector_store %arg9[%swap3A_129, %swap3A_130], %swap3A_133 {strides = array<i32>} : memref<64x256xf32, #tpu.memory_space<vmem>>, vector<1x16xf32>,
    %get3A_134 = arith.constant 48 : index
    %get3A_135 = tpu.vector_load %arg10[%get3A_134] {strides = array<i32>} : memref<256xf32, #tpu.memory_space<vmem>>, vector<16xf32>,
    %get3A_136 = vector.shape_cast %get3A_135 : vector<16xf32> to vector<16xf32>
    %swap3A_137 = arith.index_cast %get3A_109 : i32 to index
    %swap3A_138 = arith.constant 48 : index
    %swap3A_139 = tpu.vector_load %arg9[%swap3A_137, %swap3A_138] {strides = array<i32>} : memref<64x256xf32, #tpu.memory_space<vmem>>, vector<1x16xf32>,
    %swap3A_140 = vector.shape_cast %swap3A_139 : vector<1x16xf32> to vector<16xf32>
    %swap3A_141 = vector.shape_cast %get3A_136 : vector<16xf32> to vector<1x16xf32>
    tpu.vector_store %arg9[%swap3A_137, %swap3A_138], %swap3A_141 {strides = array<i32>} : memref<64x256xf32, #tpu.memory_space<vmem>>, vector<1x16xf32>,
    %get3A_142 = arith.constant 64 : index
    %get3A_143 = tpu.vector_load %arg10[%get3A_142] {strides = array<i32>} : memref<256xf32, #tpu.memory_space<vmem>>, vector<16xf32>,
    %get3A_144 = vector.shape_cast %get3A_143 : vector<16xf32> to vector<16xf32>
    %swap3A_145 = arith.index_cast %get3A_109 : i32 to index
    %swap3A_146 = arith.constant 64 : index
    %swap3A_147 = tpu.vector_load %arg9[%swap3A_145, %swap3A_146] {strides = array<i32>} : memref<64x256xf32, #tpu.memory_space<vmem>>, vector<1x16xf32>,
    %swap3A_148 = vector.shape_cast %swap3A_147 : vector<1x16xf32> to vector<16xf32>
    %swap3A_149 = vector.shape_cast %get3A_144 : vector<16xf32> to vector<1x16xf32>
    tpu.vector_store %arg9[%swap3A_145, %swap3A_146], %swap3A_149 {strides = array<i32>} : memref<64x256xf32, #tpu.memory_space<vmem>>, vector<1x16xf32>,
    %get3A_150 = arith.constant 80 : index
    %get3A_151 = tpu.vector_load %arg10[%get3A_150] {strides = array<i32>} : memref<256xf32, #tpu.memory_space<vmem>>, vector<16xf32>,
    %get3A_152 = vector.shape_cast %get3A_151 : vector<16xf32> to vector<16xf32>
    %swap3A_153 = arith.index_cast %get3A_109 : i32 to index
    %swap3A_154 = arith.constant 80 : index
    %swap3A_155 = tpu.vector_load %arg9[%swap3A_153, %swap3A_154] {strides = array<i32>} : memref<64x256xf32, #tpu.memory_space<vmem>>, vector<1x16xf32>,
    %swap3A_156 = vector.shape_cast %swap3A_155 : vector<1x16xf32> to vector<16xf32>
    %swap3A_157 = vector.shape_cast %get3A_152 : vector<16xf32> to vector<1x16xf32>
    tpu.vector_store %arg9[%swap3A_153, %swap3A_154], %swap3A_157 {strides = array<i32>} : memref<64x256xf32, #tpu.memory_space<vmem>>, vector<1x16xf32>,
    %get3A_158 = arith.constant 96 : index
    %get3A_159 = tpu.vector_load %arg10[%get3A_158] {strides = array<i32>} : memref<256xf32, #tpu.memory_space<vmem>>, vector<16xf32>,
    %get3A_160 = vector.shape_cast %get3A_159 : vector<16xf32> to vector<16xf32>
    %swap3A_161 = arith.index_cast %get3A_109 : i32 to index
    %swap3A_162 = arith.constant 96 : index
    %swap3A_163 = tpu.vector_load %arg9[%swap3A_161, %swap3A_162] {strides = array<i32>} : memref<64x256xf32, #tpu.memory_space<vmem>>, vector<1x16xf32>,
    %swap3A_164 = vector.shape_cast %swap3A_163 : vector<1x16xf32> to vector<16xf32>
    %swap3A_165 = vector.shape_cast %get3A_160 : vector<16xf32> to vector<1x16xf32>
    tpu.vector_store %arg9[%swap3A_161, %swap3A_162], %swap3A_165 {strides = array<i32>} : memref<64x256xf32, #tpu.memory_space<vmem>>, vector<1x16xf32>,
    %get3A_166 = arith.constant 112 : index
    %get3A_167 = tpu.vector_load %arg10[%get3A_166] {strides = array<i32>} : memref<256xf32, #tpu.memory_space<vmem>>, vector<16xf32>,
    %get3A_168 = vector.shape_cast %get3A_167 : vector<16xf32> to vector<16xf32>
    %swap3A_169 = arith.index_cast %get3A_109 : i32 to index
    %swap3A_170 = arith.constant 112 : index
    %swap3A_171 = tpu.vector_load %arg9[%swap3A_169, %swap3A_170] {strides = array<i32>} : memref<64x256xf32, #tpu.memory_space<vmem>>, vector<1x16xf32>,
    %swap3A_172 = vector.shape_cast %swap3A_171 : vector<1x16xf32> to vector<16xf32>
    %swap3A_173 = vector.shape_cast %get3A_168 : vector<16xf32> to vector<1x16xf32>
    tpu.vector_store %arg9[%swap3A_169, %swap3A_170], %swap3A_173 {strides = array<i32>} : memref<64x256xf32, #tpu.memory_space<vmem>>, vector<1x16xf32>,
    %get3A_174 = arith.constant 128 : index
    %get3A_175 = tpu.vector_load %arg10[%get3A_174] {strides = array<i32>} : memref<256xf32, #tpu.memory_space<vmem>>, vector<16xf32>,
    %get3A_176 = vector.shape_cast %get3A_175 : vector<16xf32> to vector<16xf32>
    %swap3A_177 = arith.index_cast %get3A_109 : i32 to index
    %swap3A_178 = arith.constant 128 : index
    %swap3A_179 = tpu.vector_load %arg9[%swap3A_177, %swap3A_178] {strides = array<i32>} : memref<64x256xf32, #tpu.memory_space<vmem>>, vector<1x16xf32>,
    %swap3A_180 = vector.shape_cast %swap3A_179 : vector<1x16xf32> to vector<16xf32>
    %swap3A_181 = vector.shape_cast %get3A_176 : vector<16xf32> to vector<1x16xf32>
    tpu.vector_store %arg9[%swap3A_177, %swap3A_178], %swap3A_181 {strides = array<i32>} : memref<64x256xf32, #tpu.memory_space<vmem>>, vector<1x16xf32>,
    %get3A_182 = arith.constant 144 : index
    %get3A_183 = tpu.vector_load %arg10[%get3A_182] {strides = array<i32>} : memref<256xf32, #tpu.memory_space<vmem>>, vector<16xf32>,
    %get3A_184 = vector.shape_cast %get3A_183 : vector<16xf32> to vector<16xf32>
    %swap3A_185 = arith.index_cast %get3A_109 : i32 to index
    %swap3A_186 = arith.constant 144 : index
    %swap3A_187 = tpu.vector_load %arg9[%swap3A_185, %swap3A_186] {strides = array<i32>} : memref<64x256xf32, #tpu.memory_space<vmem>>, vector<1x16xf32>,
    %swap3A_188 = vector.shape_cast %swap3A_187 : vector<1x16xf32> to vector<16xf32>
    %swap3A_189 = vector.shape_cast %get3A_184 : vector<16xf32> to vector<1x16xf32>
    tpu.vector_store %arg9[%swap3A_185, %swap3A_186], %swap3A_189 {strides = array<i32>} : memref<64x256xf32, #tpu.memory_space<vmem>>, vector<1x16xf32>,
    %get3A_190 = arith.constant 160 : index
    %get3A_191 = tpu.vector_load %arg10[%get3A_190] {strides = array<i32>} : memref<256xf32, #tpu.memory_space<vmem>>, vector<16xf32>,
    %get3A_192 = vector.shape_cast %get3A_191 : vector<16xf32> to vector<16xf32>
    %swap3A_193 = arith.index_cast %get3A_109 : i32 to index
    %swap3A_194 = arith.constant 160 : index
    %swap3A_195 = tpu.vector_load %arg9[%swap3A_193, %swap3A_194] {strides = array<i32>} : memref<64x256xf32, #tpu.memory_space<vmem>>, vector<1x16xf32>,
    %swap3A_196 = vector.shape_cast %swap3A_195 : vector<1x16xf32> to vector<16xf32>
    %swap3A_197 = vector.shape_cast %get3A_192 : vector<16xf32> to vector<1x16xf32>
    tpu.vector_store %arg9[%swap3A_193, %swap3A_194], %swap3A_197 {strides = array<i32>} : memref<64x256xf32, #tpu.memory_space<vmem>>, vector<1x16xf32>,
    %get3A_198 = arith.constant 176 : index
    %get3A_199 = tpu.vector_load %arg10[%get3A_198] {strides = array<i32>} : memref<256xf32, #tpu.memory_space<vmem>>, vector<16xf32>,
    %get3A_200 = vector.shape_cast %get3A_199 : vector<16xf32> to vector<16xf32>
    %swap3A_201 = arith.index_cast %get3A_109 : i32 to index
    %swap3A_202 = arith.constant 176 : index
    %swap3A_203 = tpu.vector_load %arg9[%swap3A_201, %swap3A_202] {strides = array<i32>} : memref<64x256xf32, #tpu.memory_space<vmem>>, vector<1x16xf32>,
    %swap3A_204 = vector.shape_cast %swap3A_203 : vector<1x16xf32> to vector<16xf32>
    %swap3A_205 = vector.shape_cast %get3A_200 : vector<16xf32> to vector<1x16xf32>
    tpu.vector_store %arg9[%swap3A_201, %swap3A_202], %swap3A_205 {strides = array<i32>} : memref<64x256xf32, #tpu.memory_space<vmem>>, vector<1x16xf32>,
    %get3A_206 = arith.constant 192 : index
    %get3A_207 = tpu.vector_load %arg10[%get3A_206] {strides = array<i32>} : memref<256xf32, #tpu.memory_space<vmem>>, vector<16xf32>,
    %get3A_208 = vector.shape_cast %get3A_207 : vector<16xf32> to vector<16xf32>
    %swap3A_209 = arith.index_cast %get3A_109 : i32 to index
    %swap3A_210 = arith.constant 192 : index
    %swap3A_211 = tpu.vector_load %arg9[%swap3A_209, %swap3A_210] {strides = array<i32>} : memref<64x256xf32, #tpu.memory_space<vmem>>, vector<1x16xf32>,
    %swap3A_212 = vector.shape_cast %swap3A_211 : vector<1x16xf32> to vector<16xf32>
    %swap3A_213 = vector.shape_cast %get3A_208 : vector<16xf32> to vector<1x16xf32>
    tpu.vector_store %arg9[%swap3A_209, %swap3A_210], %swap3A_213 {strides = array<i32>} : memref<64x256xf32, #tpu.memory_space<vmem>>, vector<1x16xf32>,
    %get3A_214 = arith.constant 208 : index
    %get3A_215 = tpu.vector_load %arg10[%get3A_214] {strides = array<i32>} : memref<256xf32, #tpu.memory_space<vmem>>, vector<16xf32>,
    %get3A_216 = vector.shape_cast %get3A_215 : vector<16xf32> to vector<16xf32>
    %swap3A_217 = arith.index_cast %get3A_109 : i32 to index
    %swap3A_218 = arith.constant 208 : index
    %swap3A_219 = tpu.vector_load %arg9[%swap3A_217, %swap3A_218] {strides = array<i32>} : memref<64x256xf32, #tpu.memory_space<vmem>>, vector<1x16xf32>,
    %swap3A_220 = vector.shape_cast %swap3A_219 : vector<1x16xf32> to vector<16xf32>
    %swap3A_221 = vector.shape_cast %get3A_216 : vector<16xf32> to vector<1x16xf32>
    tpu.vector_store %arg9[%swap3A_217, %swap3A_218], %swap3A_221 {strides = array<i32>} : memref<64x256xf32, #tpu.memory_space<vmem>>, vector<1x16xf32>,
    %get3A_222 = arith.constant 224 : index
    %get3A_223 = tpu.vector_load %arg10[%get3A_222] {strides = array<i32>} : memref<256xf32, #tpu.memory_space<vmem>>, vector<16xf32>,
    %get3A_224 = vector.shape_cast %get3A_223 : vector<16xf32> to vector<16xf32>
    %swap3A_225 = arith.index_cast %get3A_109 : i32 to index
    %swap3A_226 = arith.constant 224 : index
    %swap3A_227 = tpu.vector_load %arg9[%swap3A_225, %swap3A_226] {strides = array<i32>} : memref<64x256xf32, #tpu.memory_space<vmem>>, vector<1x16xf32>,
    %swap3A_228 = vector.shape_cast %swap3A_227 : vector<1x16xf32> to vector<16xf32>
    %swap3A_229 = vector.shape_cast %get3A_224 : vector<16xf32> to vector<1x16xf32>
    tpu.vector_store %arg9[%swap3A_225, %swap3A_226], %swap3A_229 {strides = array<i32>} : memref<64x256xf32, #tpu.memory_space<vmem>>, vector<1x16xf32>,
    %get3A_230 = arith.constant 240 : index
    %get3A_231 = tpu.vector_load %arg10[%get3A_230] {strides = array<i32>} : memref<256xf32, #tpu.memory_space<vmem>>, vector<16xf32>,
    %get3A_232 = vector.shape_cast %get3A_231 : vector<16xf32> to vector<16xf32>
    %swap3A_233 = arith.index_cast %get3A_109 : i32 to index
    %swap3A_234 = arith.constant 240 : index
    %swap3A_235 = tpu.vector_load %arg9[%swap3A_233, %swap3A_234] {strides = array<i32>} : memref<64x256xf32, #tpu.memory_space<vmem>>, vector<1x16xf32>,
    %swap3A_236 = vector.shape_cast %swap3A_235 : vector<1x16xf32> to vector<16xf32>
    %swap3A_237 = vector.shape_cast %get3A_232 : vector<16xf32> to vector<1x16xf32>
    tpu.vector_store %arg9[%swap3A_233, %swap3A_234], %swap3A_237 {strides = array<i32>} : memref<64x256xf32, #tpu.memory_space<vmem>>, vector<1x16xf32>,
    "tpu.region"() ({
      %run_scoped3A = tpu.sem_alloc : memref<!tpu.dma_semaphore, #tpu.memory_space<semaphore_mem>>
      %dma_start3A_238 = arith.constant 0 : i32
      %dma_start3A_239 = arith.constant 0 : i32
      %dma_start3A_240 = tpu.memref_slice %arg5[%add3A, %dma_start3A_238, %dma_start3A_239] : memref<32x64x256xf32, #tpu.memory_space<hbm>> -> memref<1x64x256xf32, #tpu.memory_space<hbm>>
      %dma_start3A_241 = tpu.memref_squeeze %dma_start3A_240 : memref<1x64x256xf32, #tpu.memory_space<hbm>> -> memref<64x256xf32, #tpu.memory_space<hbm>>
      %dma_start3A_242 = arith.constant 0 : i32
      %dma_start3A_243 = arith.constant 0 : i32
      %dma_start3A_244 = tpu.memref_slice %arg5[%add3A, %dma_start3A_242, %dma_start3A_243] : memref<32x64x256xf32, #tpu.memory_space<hbm>> -> memref<1x64x256xf32, #tpu.memory_space<hbm>>
      %dma_start3A_245 = tpu.memref_squeeze %dma_start3A_244 : memref<1x64x256xf32, #tpu.memory_space<hbm>> -> memref<64x256xf32, #tpu.memory_space<hbm>>
      tpu.enqueue_dma source(%arg9 : memref<64x256xf32, #tpu.memory_space<vmem>>) target(%dma_start3A_245 : memref<64x256xf32, #tpu.memory_space<hbm>>) target_semaphore(%run_scoped3A : memref<!tpu.dma_semaphore, #tpu.memory_space<semaphore_mem>>)
      %dma_wait3A_246 = arith.constant 0 : i32
      %dma_wait3A_247 = arith.constant 0 : i32
      %dma_wait3A_248 = tpu.memref_slice %arg5[%add3A, %dma_wait3A_246, %dma_wait3A_247] : memref<32x64x256xf32, #tpu.memory_space<hbm>> -> memref<1x64x256xf32, #tpu.memory_space<hbm>>
      %dma_wait3A_249 = tpu.memref_squeeze %dma_wait3A_248 : memref<1x64x256xf32, #tpu.memory_space<hbm>> -> memref<64x256xf32, #tpu.memory_space<hbm>>
      %dma_wait3A_250 = arith.constant 0 : i32
      %dma_wait3A_251 = arith.constant 0 : i32
      %dma_wait3A_252 = tpu.memref_slice %arg5[%add3A, %dma_wait3A_250, %dma_wait3A_251] : memref<32x64x256xf32, #tpu.memory_space<hbm>> -> memref<1x64x256xf32, #tpu.memory_space<hbm>>
      %dma_wait3A_253 = tpu.memref_squeeze %dma_wait3A_252 : memref<1x64x256xf32, #tpu.memory_space<hbm>> -> memref<64x256xf32, #tpu.memory_space<hbm>>
      tpu.wait_dma2 semaphore(%run_scoped3A : memref<!tpu.dma_semaphore, #tpu.memory_space<semaphore_mem>>) src(%arg9 : memref<64x256xf32, #tpu.memory_space<vmem>>) dst(%dma_wait3A_253 : memref<64x256xf32, #tpu.memory_space<hbm>>)
      tpu.yield
    }) : () -> ()
    return
  }
}

module attributes {stable_mosaic.version = 14 : i64} {
  func.func @_tc_readout(%arg0: memref<32x64x256xf32, #tpu.memory_space<vmem>>, %arg1: memref<64x256xf32, #tpu.memory_space<vmem>>, %arg2: memref<256x512xf32, #tpu.memory_space<vmem>>, %arg3: memref<1x512xf32, #tpu.memory_space<vmem>>, %arg4: memref<512x128xf32, #tpu.memory_space<vmem>>, %arg5: memref<1x128xf32, #tpu.memory_space<vmem>>, %arg6: memref<63x128xf32, #tpu.memory_space<vmem>>) attributes {dimension_semantics = [], scalar_prefetch = 0 : i64, scratch_operands = 0 : i64, tpu.core_type = #tpu.core_type<tc>} {
    %get3A = arith.constant 0 : index
    %get3A_0 = arith.constant 0 : index
    %get3A_1 = arith.constant 0 : index
    %get3A_2 = vector.load %arg0[%get3A, %get3A_0, %get3A_1] : memref<32x64x256xf32, #tpu.memory_space<vmem>>, vector<32x64x256xf32>
    %reduce_sum3A = arith.constant dense<0.000000e+00> : vector<64x256xf32>
    %reduce_sum3A_3 = vector.multi_reduction <add>, %get3A_2, %reduce_sum3A [0] : vector<32x64x256xf32> to vector<64x256xf32>
    %get3A_4 = arith.constant 0 : index
    %get3A_5 = arith.constant 0 : index
    %get3A_6 = vector.load %arg1[%get3A_4, %get3A_5] : memref<64x256xf32, #tpu.memory_space<vmem>>, vector<64x256xf32>
    %add3A = arith.addf %reduce_sum3A_3, %get3A_6 : vector<64x256xf32>
    %slice3A = vector.extract_strided_slice %add3A {offsets = [1, 0], sizes = [63, 256], strides = [1, 1]} : vector<64x256xf32> to vector<63x256xf32>
    %get3A_7 = arith.constant 0 : index
    %get3A_8 = arith.constant 0 : index
    %get3A_9 = vector.load %arg2[%get3A_7, %get3A_8] : memref<256x512xf32, #tpu.memory_space<vmem>>, vector<256x512xf32>
    %dot_general3A = arith.constant dense<0.000000e+00> : vector<63x512xf32>
    %dot_general3A_10 = tpu.matmul %slice3A, %get3A_9, %dot_general3A {dimension_numbers = #tpu.dot_dimension_numbers<[1], [0], [0], [1], [0, 0, 1, 1], [], []>, transpose_lhs_hint = false} : vector<63x256xf32>, vector<256x512xf32>, vector<63x512xf32> -> vector<63x512xf32>
    %get3A_11 = arith.constant 0 : index
    %get3A_12 = arith.constant 0 : index
    %get3A_13 = vector.load %arg3[%get3A_11, %get3A_12] : memref<1x512xf32, #tpu.memory_space<vmem>>, vector<1x512xf32>
    %add3A_14 = vector.broadcast %get3A_13 : vector<1x512xf32> to vector<63x512xf32>
    %add3A_15 = arith.addf %dot_general3A_10, %add3A_14 : vector<63x512xf32>
    %get3A_16 = arith.constant 0 : index
    %get3A_17 = arith.constant 0 : index
    %get3A_18 = vector.load %arg4[%get3A_16, %get3A_17] : memref<512x128xf32, #tpu.memory_space<vmem>>, vector<512x128xf32>
    %dot_general3A_19 = arith.constant dense<0.000000e+00> : vector<63x128xf32>
    %dot_general3A_20 = tpu.matmul %add3A_15, %get3A_18, %dot_general3A_19 {dimension_numbers = #tpu.dot_dimension_numbers<[1], [0], [0], [1], [0, 0, 1, 1], [], []>, transpose_lhs_hint = false} : vector<63x512xf32>, vector<512x128xf32>, vector<63x128xf32> -> vector<63x128xf32>
    %get3A_21 = arith.constant 0 : index
    %get3A_22 = arith.constant 0 : index
    %get3A_23 = vector.load %arg5[%get3A_21, %get3A_22] : memref<1x128xf32, #tpu.memory_space<vmem>>, vector<1x128xf32>
    %add3A_24 = vector.broadcast %get3A_23 : vector<1x128xf32> to vector<63x128xf32>
    %add3A_25 = arith.addf %dot_general3A_20, %add3A_24 : vector<63x128xf32>
    %swap3A = arith.constant 0 : index
    %swap3A_26 = arith.constant 0 : index
    %swap3A_27 = vector.load %arg6[%swap3A, %swap3A_26] : memref<63x128xf32, #tpu.memory_space<vmem>>, vector<63x128xf32>
    tpu.vector_store %arg6[%swap3A, %swap3A_26], %add3A_25 {strides = array<i32>} : memref<63x128xf32, #tpu.memory_space<vmem>>, vector<63x128xf32>,
    return
  }
}

module attributes {stable_mosaic.version = 14 : i64} {
  func.func @_tc_onehot_partial(%arg0: i32, %arg1: memref<7168x256xf32, #tpu.memory_space<vmem>>, %arg2: memref<7168xf32, #tpu.memory_space<vmem>>, %arg3: memref<7168xi32, #tpu.memory_space<vmem>>, %arg4: memref<64x256xf32, #tpu.memory_space<vmem>>) attributes {dimension_semantics = [#tpu.dimension_semantics<arbitrary>], iteration_bounds = array<i64: 4>, scalar_prefetch = 0 : i64, scratch_operands = 0 : i64, tpu.core_type = #tpu.core_type<tc>, window_params = [{transform_indices = @transform_0, window_bounds = array<i64: 7168, 256>}, {transform_indices = @transform_1, window_bounds = array<i64: 7168>}, {transform_indices = @transform_2, window_bounds = array<i64: 7168>}, {pipeline_mode = #tpu.pipeline_mode<synchronous>, transform_indices = @transform_3, window_bounds = array<i64: 64, 256>}]} {
    %iota3A = tpu.iota {dimensions = array<i32: 0>} : vector<64x7168xi32>
    %get3A = arith.constant 0 : index
    %get3A_0 = vector.load %arg3[%get3A] : memref<7168xi32, #tpu.memory_space<vmem>>, vector<7168xi32>
    %broadcast_in_dim3A = vector.shape_cast %get3A_0 : vector<7168xi32> to vector<1x7168xi32>
    %eq3A = vector.broadcast %broadcast_in_dim3A : vector<1x7168xi32> to vector<64x7168xi32>
    %eq3A_1 = arith.cmpi eq, %iota3A, %eq3A : vector<64x7168xi32>
    %get3A_2 = arith.constant 0 : index
    %get3A_3 = vector.load %arg2[%get3A_2] : memref<7168xf32, #tpu.memory_space<vmem>>, vector<7168xf32>
    %broadcast_in_dim3A_4 = vector.shape_cast %get3A_3 : vector<7168xf32> to vector<1x7168xf32>
    %jit3A = arith.constant 0.000000e+00 : f32
    %broadcast_in_dim3A_5 = vector.shape_cast %broadcast_in_dim3A_4 : vector<1x7168xf32> to vector<1x7168xf32>
    %broadcast_in_dim3A_6 = vector.broadcast %broadcast_in_dim3A_5 : vector<1x7168xf32> to vector<64x7168xf32>
    %broadcast_in_dim3A_7 = vector.broadcast %jit3A : f32 to vector<64x7168xf32>
    %select_n3A = arith.select %eq3A_1, %broadcast_in_dim3A_6, %broadcast_in_dim3A_7 : vector<64x7168xi1>, vector<64x7168xf32>
    %get3A_8 = arith.constant 0 : index
    %get3A_9 = arith.constant 0 : index
    %get3A_10 = vector.load %arg1[%get3A_8, %get3A_9] : memref<7168x256xf32, #tpu.memory_space<vmem>>, vector<7168x256xf32>
    %dot_general3A = arith.constant dense<0.000000e+00> : vector<64x256xf32>
    %dot_general3A_11 = tpu.matmul %select_n3A, %get3A_10, %dot_general3A {dimension_numbers = #tpu.dot_dimension_numbers<[1], [0], [0], [1], [0, 0, 1, 1], [], []>, transpose_lhs_hint = false} : vector<64x7168xf32>, vector<7168x256xf32>, vector<64x256xf32> -> vector<64x256xf32>
    %eq3A_12 = arith.constant 0 : i32
    %eq3A_13 = arith.cmpi eq, %arg0, %eq3A_12 : i32
    %convert_element_type3A = arith.extui %eq3A_13 : i1 to i32
    %cond3A = arith.constant 0 : i32
    %cond3A_14 = arith.cmpi ne, %convert_element_type3A, %cond3A : i32
    scf.if %cond3A_14 {
      %swap3A = arith.constant 0 : index
      %swap3A_19 = arith.constant 0 : index
      %swap3A_20 = vector.load %arg4[%swap3A, %swap3A_19] : memref<64x256xf32, #tpu.memory_space<vmem>>, vector<64x256xf32>
      tpu.vector_store %arg4[%swap3A, %swap3A_19], %dot_general3A_11 {strides = array<i32>} : memref<64x256xf32, #tpu.memory_space<vmem>>, vector<64x256xf32>,
    } else {
    }
    %gt3A = arith.constant 0 : i32
    %gt3A_15 = arith.cmpi sgt, %arg0, %gt3A : i32
    %convert_element_type3A_16 = arith.extui %gt3A_15 : i1 to i32
    %cond3A_17 = arith.constant 0 : i32
    %cond3A_18 = arith.cmpi ne, %convert_element_type3A_16, %cond3A_17 : i32
    scf.if %cond3A_18 {
      %get3A_19 = arith.constant 0 : index
      %get3A_20 = arith.constant 0 : index
      %get3A_21 = vector.load %arg4[%get3A_19, %get3A_20] : memref<64x256xf32, #tpu.memory_space<vmem>>, vector<64x256xf32>
      %add3A = arith.addf %get3A_21, %dot_general3A_11 : vector<64x256xf32>
      %swap3A = arith.constant 0 : index
      %swap3A_22 = arith.constant 0 : index
      %swap3A_23 = vector.load %arg4[%swap3A, %swap3A_22] : memref<64x256xf32, #tpu.memory_space<vmem>>, vector<64x256xf32>
      tpu.vector_store %arg4[%swap3A, %swap3A_22], %add3A {strides = array<i32>} : memref<64x256xf32, #tpu.memory_space<vmem>>, vector<64x256xf32>,
    } else {
    }
    return
  }
  func.func @transform_0(%arg0: i32) -> (i32, i32) {
    %c0_i32 = arith.constant 0 : i32
    %c0_i32_0 = arith.constant 0 : i32
    return %arg0, %c0_i32 : i32, i32
  }
  func.func @transform_1(%arg0: i32) -> i32 {
    %c0_i32 = arith.constant 0 : i32
    return %arg0 : i32
  }
  func.func @transform_2(%arg0: i32) -> i32 {
    %c0_i32 = arith.constant 0 : i32
    return %arg0 : i32
  }
  func.func @transform_3(%arg0: i32) -> (i32, i32) {
    %c0_i32 = arith.constant 0 : i32
    %c0_i32_0 = arith.constant 0 : i32
    %c0_i32_1 = arith.constant 0 : i32
    return %c0_i32, %c0_i32_0 : i32, i32
  }
}

</mosaic_0001>

<sc_bundles>
// kernel: kernel.5.cloned.1.call-start
scs
__scs_entry_jumppad:
0x0: {  	(pc) =	sbr.rel $0x88, $3  }
0x1: {  	(tag) =	ssettag $0x0;
	lr =	simm.s32 $0x1  }
0x2: {  	[smem:$0x3F9A] =	sst lr;
	_ =	strace $0xD0000000  }
0x3: {  	_ = 	snop  }
0x4: {  	_ = 	snop  }
0x5: {  	_ = 	snop  }
0x6: {  	_ = 	snop  }
0x7: {  	_ = 	snop  }
__scs_overlays_trampoline_lowered:
0x8: {  	[smem:$0x3FA9] =	sst s0  }
0x9: {  	[smem:$0x3FAA] =	sst s1  }
0xa: {  	[smem:$0x3FAB] =	sst s2  }
0xb: {  	[smem:$0x3FAC] =	sst s3  }
0xc: {  	[smem:$0x3FAD] =	sst s4  }
0xd: {  	[smem:$0x3FAE] =	sst s5  }
0xe: {  	[smem:$0x3FAF] =	sst s6  }
0xf: {  	[smem:$0x3FB0] =	sst s7  }
0x10: {  	[smem:$0x3FB1] =	sst s8  }
0x11: {  	[smem:$0x3FB2] =	sst s9;
	s0 =	simm.s32 @!p0 $0x0  }
0x12: {  	s1 =	sld [smem:$0x3F98];
	s0 =	simm.s32 @p0 $0x1  }
0x13: {  	[smem:$0x3FB3] =	sst s0;
	s0 =	simm.s32 @!p1 $0x0  }
0x14: {  	s2 =	sld [smem:$0x3F97];
	s0 =	simm.s32 @p1 $0x1  }
0x15: {  	[smem:$0x3FB4] =	sst s0;
	s0 =	simm.s32 @!p2 $0x0  }
0x16: {  	s3 =	sld [smem:$0x3FDB];
	s0 =	simm.s32 @p2 $0x1  }
0x17: {  	s4 =	simm.s32 $0x1BF5;
	[smem:$0x3FB6] =	sst s0  }
0x18: {  	s0 =	sld [smem:$0x3F99];
	_ =	swait.ge [sflag:s4], $0x0  }
0x19: {  	s7 =	sld [smem:$0x3F9A]  }
0x1a: {  	s8 =	sadd.s32 $0xFFFFE003, lr  }
0x1b: {  	s9 =	sadd.s32 $0xFFFFFEF7, lr;
	s5 =	simm.s32 $0xFFFFFFFF;
	p2 =	slt.u32 s8, $0xFFFFF086  }
0x1c: {  	p1 =	slt.u32 s9, $0xF7A;
	s5 =	simm.s32 @!p2 $0x0  }
0x1d: {  	s5 =	simm.s32 @p1 $0x1;
	p0 =	seq.s32 s7, s2  }
0x1e: {  	s7 =	smul.u32 @!p0 $0xF7A, s2;
	p2 =	seq.s32 @!p0 s5, $0x0  }
0x1f: {  	s9 =	smul.u32 $0xF7A, s1;
	s8 =	simm.s32 @!p0 $0x1BF5;
	p2 =	por !p2, p0  }
0x20: {  	[sflag:s8] =	ssyncset.s32 @!p0 $0xFFFFF086;
	s6 =	sadd.s32 @!p0 s3, s7;
	s7 =	simm.s32 @!p0 $0x108  }
0x21: {  	s3 =	sadd.s32 s3, s9;
	s6 =	sadd.s32 @!p0 $0x88, s6;
	s7 =	simm.s32 @p2 $0x1082  }
0x22: {  	[simem:s7], [sflag:s8] =	dma.local @!p0 [hbm:s6], $0xF7A  }
0x23: {  	s9 =	sor.u32 $0xD0000000, s2;
	s6 =	simm.s32 $0x108;
	_ =	swait.ge @!p0 [sflag:s8], $0x0  }
0x24: {  	s3 =	sadd.s32 $0x88, s3;
	s6 =	simm.s32 @!p1 $0x1082;
	[sflag:s4] =	ssyncset.s32 $0xFFFFF086  }
0x25: {  	[simem:s6], [sflag:s4] =	dma.local [hbm:s3], $0xF7A  }
0x26: {  	[smem:$0x3F9A] =	sst s1;
	(tag) =	ssettag s2;
	_ =	strace s9  }
0x27: {  	s1 =	sld [smem:$0x3FAA]  }
0x28: {  	s2 =	sld [smem:$0x3FAB]  }
0x29: {  	s4 =	sld [smem:$0x3FAD]  }
0x2a: {  	p0 =	seq.s32 s5, $0x0;
	s5 =	sld [smem:$0x3FAE]  }
0x2b: {  	s6 =	sld [smem:$0x3FAF]  }
0x2c: {  	s7 =	sld [smem:$0x3FB0]  }
0x2d: {  	s3 =	simm.s32 $0x108;
	s8 =	sld [smem:$0x3FB1]  }
0x2e: {  	s3 =	simm.s32 @!p0 $0x1082;
	s9 =	sld [smem:$0x3FB2]  }
0x2f: {  	lr =	sadd.s32 s0, s3;
	s0 =	sld [smem:$0x3FA9]  }
0x30: {  	s3 =	sld [smem:$0x3FAC]  }
0x31: {  	[smem:$0x3FB5] =	sst s10  }
0x32: {  	s10 =	sld [smem:$0x3FB3];
	_ =	sdelay $0x3  }
0x33: {  	p0 =	seq.s32 s10, $0x1;
	s10 =	sld [smem:$0x3FB5];
	_ =	sdelay $0x3  }
0x34: {  	[smem:$0x3FB5] =	sst s10  }
0x35: {  	s10 =	sld [smem:$0x3FB4];
	_ =	sdelay $0x3  }
0x36: {  	p1 =	seq.s32 s10, $0x1;
	s10 =	sld [smem:$0x3FB5];
	_ =	sdelay $0x3  }
0x37: {  	[smem:$0x3FB5] =	sst s10  }
0x38: {  	s10 =	sld [smem:$0x3FB6]  }
0x39: {  	_ = 	snop;
	(pc) =	sbr.ind lr, $3  }
0x3a: {  	_ = 	snop  }
0x3b: {  	_ = 	snop  }
0x3c: {  	p2 =	seq.s32 s10, $0x1;
	s10 =	sld [smem:$0x3FB5]  }
0x3d: {  	_ =	shalt  }
0x3e: {  	_ =	shalt  }
0x3f: {  	_ =	shalt  }
0x40: {  	_ =	shalt  }
0x41: {  	_ =	shalt  }
0x42: {  	_ =	shalt  }
0x43: {  	_ =	shalt  }
0x44: {  	_ =	shalt  }
0x45: {  	_ =	shalt  }
0x46: {  	_ =	shalt  }
0x47: {  	_ =	shalt  }
0x48: {  	_ =	shalt  }
0x49: {  	_ =	shalt  }
0x4a: {  	_ =	shalt  }
0x4b: {  	_ =	shalt  }
0x4c: {  	_ =	shalt  }
0x4d: {  	_ =	shalt  }
0x4e: {  	_ =	shalt  }
0x4f: {  	_ =	shalt  }
0x50: {  	_ =	shalt  }
0x51: {  	_ =	shalt  }
0x52: {  	_ =	shalt  }
0x53: {  	_ =	shalt  }
0x54: {  	_ =	shalt  }
0x55: {  	_ =	shalt  }
0x56: {  	_ =	shalt  }
0x57: {  	_ =	shalt  }
0x58: {  	_ =	shalt  }
0x59: {  	_ =	shalt  }
0x5a: {  	_ =	shalt  }
0x5b: {  	_ =	shalt  }
0x5c: {  	_ =	shalt  }
0x5d: {  	_ =	shalt  }
0x5e: {  	_ =	shalt  }
0x5f: {  	_ =	shalt  }
0x60: {  	_ =	shalt  }
0x61: {  	_ =	shalt  }
0x62: {  	_ =	shalt  }
0x63: {  	_ =	shalt  }
0x64: {  	_ =	shalt  }
0x65: {  	_ =	shalt  }
0x66: {  	_ =	shalt  }
0x67: {  	_ =	shalt  }
0x68: {  	_ =	shalt  }
0x69: {  	_ =	shalt  }
0x6a: {  	_ =	shalt  }
0x6b: {  	_ =	shalt  }
0x6c: {  	_ =	shalt  }
0x6d: {  	_ =	shalt  }
0x6e: {  	_ =	shalt  }
0x6f: {  	_ =	shalt  }
0x70: {  	_ =	shalt  }
0x71: {  	_ =	shalt  }
0x72: {  	_ =	shalt  }
0x73: {  	_ =	shalt  }
0x74: {  	_ =	shalt  }
0x75: {  	_ =	shalt  }
0x76: {  	_ =	shalt  }
0x77: {  	_ =	shalt  }
0x78: {  	_ =	shalt  }
0x79: {  	_ =	shalt  }
0x7a: {  	_ =	shalt  }
0x7b: {  	_ =	shalt  }
0x7c: {  	_ =	shalt  }
0x7d: {  	_ =	shalt  }
0x7e: {  	_ =	shalt  }
0x7f: {  	_ =	shalt  }
0x80: {  	_ =	shalt  }
0x81: {  	_ =	shalt  }
0x82: {  	_ =	shalt  }
0x83: {  	_ =	shalt  }
0x84: {  	_ =	shalt  }
0x85: {  	_ =	shalt  }
0x86: {  	_ =	shalt  }
0x87: {  	_ =	shalt  }
.Lfunc_end0:
.L_simem_size_0:
called_computation_lowered:
.L_overlay_start_0:
0x88: {  	s2 =	sld [smem:$0x3FD9]  }
0x89: {  	s3 =	sld [smem:$0x3FFE];
	_ =	sdelay $0x1  }
0x8a: {  	s1 =	srdreg.scid  }
0x8b: {  	s0 =	sand.u32 $0x1, s1  }
0x8c: {  	s17 =	sshll.u32 s0, $0xA;
	s2 =	sadd.s32 s3, s2  }
0x8d: {  	s2 =	sadd.s32 s2, s17  }
0x8e: {  	[smem:$0x3FC1] =	sst s2  }
0x8f: {  	_ = 	snop  }
0x90: {  	s2 =	sld [smem:$0x3FC9]  }
0x91: {  	s18 =	sld [smem:$0x3FC8]  }
0x92: {  	s4 =	sld [smem:$0x3FC7];
	(tm) =	ssettm $0x1  }
0x93: {  	s5 =	sld [smem:$0x3FFB];
	_ =	sdelay $0x3  }
0x94: {  	_ =	strace s5  }
0x95: {  	s5 =	sld [smem:$0x3FFC];
	_ =	sdelay $0x3  }
0x96: {  	_ =	strace s5  }
0x97: {  	s5 =	sld [smem:$0x3FFD];
	_ =	sdelay $0x3  }
0x98: {  	_ =	strace s5  }
0x99: {  	_ =	strace $0x8FFFFFFF  }
0x9a: {  	s19 =	sld [smem:$0x3FDB];
	_ =	sdelay $0x1  }
0x9b: {  	s6 =	simm.s32 $_scs_section_size  }
0x9c: {  	s7 =	simm.s32 $_size__tile_overlayer_lowered;
	s8 =	simm.s32 $_tile_overlayer_lowered  }
0x9d: {  	s22 =	simm.s32 $0x1BFF;
	s21 =	sshll.u32 s8, $0x1;
	s5 =	sadd.s32 s6, s19  }
0x9e: {  	s9 =	simm.s32 $0x0;
	s20 =	sshll.u32 s7, $0x1;
	s7 =	sadd.s32 s21, s5  }
0x9f: {  	[timem:s9], [sflag:s22] =	dma.local [hbm:s7], s20  }
0xa0: {  	_ =	swait.ge [sflag:s22], s20  }
0xa1: {  	s6 =	ssub.s32 $0x0, s20;
	[sflag:s22] =	ssyncset.done $0x0  }
0xa2: {  	[sflag:s22] =	ssyncadd.s32 s6;
	_ =	sdelay $0x1  }
0xa3: {  	s23 =	simm.s32 $0x1B8B  }
0xa4: {  	_ =	swait.ge [sflag:s23], $0x1  }
0xa5: {  	[sflag:s23] =	ssyncset.done $0x0  }
0xa6: {  	s25 =	simm.s32 $0x1B8E;
	s24 =	sld [smem:$0x3FFE];
	[sflag:s23] =	ssyncadd.s32 $0xFFFFFFFF  }
0xa7: {  	s26 =	simm.s32 $execute0_lowered;
	[smem:$0x3FD2] =	sst s25  }
0xa8: {  	s7 =	sshll.u32 s26, $0x1;
	_ =	strace $0x80000046;
	[dreg:$0x1] =	wrdreg $0xFFFFFFFF  }
0xa9: {  	s28 =	simm.s32 $_size_execute0_lowered;
	s5 =	sadd.s32 s5, s7;
	[dreg:$0x0] =	wrdreg $0x0  }
0xaa: {  	s7 =	sshll.u32 s28, $0x1;
	[dreg:$0x2] =	wrdreg s5  }
0xab: {  	[dreg:$0x3] =	wrdreg s7  }
0xac: {  	[dreg:$0x4] =	wrdreg $0xC0  }
0xad: {  	_ =	task [dreg:s9], $0x5FFFF  }
0xae: {  	[dreg:$0x1] =	wrdreg $0xFFFFFFFF  }
0xaf: {  	[dreg:$0x0] =	wrdreg $0x60  }
0xb0: {  	[dreg:$0x2] =	wrdreg s2  }
0xb1: {  	[dreg:$0x3] =	wrdreg s18  }
0xb2: {  	[dreg:$0x4] =	wrdreg s4  }
0xb3: {  	[dreg:$0x5] =	wrdreg s24  }
0xb4: {  	[dreg:$0x6] =	wrdreg $0x9  }
0xb5: {  	_ =	task.clear_ibuf [dreg:s9], $0x7FFFF;
	_ =	strace $0x90000046  }
0xb6: {  	s29 =	simm.s32 $0x9;
	_ =	strace $0x80000048  }
0xb7: {  	_ =	swait.ge [sflag:s29], $0x1  }
0xb8: {  	[sflag:s29] =	ssyncadd.s32 $0xFFFFFFFF  }
0xb9: {  	_ =	strace $0x90000048  }
0xba: {  	_ =	sfence  }
0xbb: {  	s30 =	sld [smem:$0x0];
	_ =	sdelay $0x2  }
0xbc: {  	s31 =	sshll.u32 s1, $0xD;
	s1 =	sshrl.u32 s1, $0x2  }
0xbd: {  	s3 =	sand.u32 $0x4000, s31;
	s1 =	sadd.s32 s1, s30  }
0xbe: {  	s0 =	sor.u32 s3, s0;
	s1 =	sshll.u32 s1, $0x11  }
0xbf: {  	s0 =	sor.u32 s1, s0  }
0xc0: {  	s0 =	sadd.s32 $0x8F2B, s0  }
0xc1: {  	[sflag:s0] =	ssyncadd.remote.s32 $0x1  }
0xc2: {  	_ =	sfence.sel $0xFFFF  }
0xc3: {  	[dreg:$0x0] =	wrdreg $0xFFFFFFFF;
	(pc) =	sbr.abs _section_cstart, $3  }
0xc4: {  	[dreg:$0x1] =	wrdreg $0xFFFFFFFF  }
0xc5: {  	_ =	task.clear_ibuf [dreg:s9], $0x2FFFF;
	_ =	strace $0x9FFFFFFF  }
0xc6: {  	(tm) =	ssettm $0x7FFFFFFF  }
0xc7: {  	_ =	shalt  }
tec
execute0_lowered:
.L_overlay_start_1:
0x0: {  	(tag) =	ssettag $0x1  }
0x1: {  	s0 =	rddreg [dreg:$0x0]  }
0x2: {  	s1 =	rddreg [dreg:$0x1]  }
0x3: {  	s2 =	rddreg [dreg:$0x2]  }
0x4: {  	s3 =	rddreg [dreg:$0x3];
	s7 =	simm.s32 $0x0  }
0x5: {  	s4 =	srdreg.scid;
	s5 =	stileid.u32;
	s12 =	simm.s32 $0xC200  }
0x6: {  	s13 =	simm.s32 $0xC210;
	s14 =	simm.s32 $0xC220;
	s15 =	simm.s32 $0xC230  }
0x7: {  	s16 =	simm.s32 $0xC240;
	s17 =	simm.s32 $0xC250;
	s18 =	simm.s32 $0xC260  }
0x8: {  	s19 =	simm.s32 $0xC270;
	s20 =	simm.s32 $0xC280;
	s21 =	simm.s32 $0xC290  }
0x9: {  	s22 =	simm.s32 $0xC2A0;
	s23 =	simm.s32 $0xC2B0;
	s28 =	simm.s32 $0xC2F0  }
0xa: {  	[smem:$0x7FF] =	sst s7;
	s4 =	sand.u32 $0x1, s4;
	s5 =	sshll.u32 s5, $0x1  }
0xb: {  	_ =	strace $0x80000047;
	s5 =	sor.u32 s4, s5;
	s4 =	ssub.s32 $0x2, s4  }
0xc: {  	s6 =	sshll.u32 s5, $0xB;
	s5 =	sshll.u32 s5, $0x7;
	s24 =	sshrl.u32 s4, $0x1  }
0xd: {  	s3 =	sadd.s32 s6, s3;
	s5 =	sor.u32 $0x7000, s5;
	s4 =	ssub.s32 s4, s24  }
0xe: {  	s24 =	simm.s32 $0xC2C0;
	s25 =	sshll.u32 s5, $0x5;
	s30 =	sadd.s32 $0x1200, s3  }
.Ltmp0:
0xf: {  	s31 =	smax.u32 s4, $0x1;
	[dreg:$0x8] =	wrdreg s30;
	(pc) =	sbr.rel .LBB2_1-.Ltmp0, $4  }
0x10: {  	s5 =	sshrl.u32 s5, $0x3;
	s0 =	sadd.s32 s0, s25;
	[dreg:$0x9] =	wrdreg s31  }
0x11: {  	s26 =	sadd.s32 s1, s5;
	s29 =	sadd.s32 s2, s5;
	[dreg:$0x5] =	wrdreg s0  }
0x12: {  	s2 =	simm.s32 $0x2;
	s25 =	simm.s32 $0xC2D0;
	[dreg:$0x6] =	wrdreg s26  }
0x13: {  	v0 =	vimm.f32 $0.0e+00;
	s1 =	simm.s32 $0x0;
	[dreg:$0x7] =	wrdreg s29;
	s26 =	simm.s32 $0xC2E0  }
.LBB2_16:
0x14: {  	v1 =	vld [tilespmem:$0xC200];
	_ =	sdelay $0x1  }
0x15: {  	s0 =	sshll.u32 s9, $0x8;
	s1 =	sshll.u32 s9, $0x7  }
0x16: {  	s0 =	sand.u32 $0xFFFFF800, s0;
	s1 =	sand.u32 $0x380, s1  }
0x17: {  	s0 =	sor.u32 s1, s0  }
0x18: {  	[tilespmem:s0+$0x8200] =	vst v1  }
0x19: {  	v1 =	vld [tilespmem:$0xC210];
	_ =	sdelay $0x4  }
0x1a: {  	[tilespmem:s0+$0x8210] =	vst v1  }
0x1b: {  	v1 =	vld [tilespmem:$0xC220];
	_ =	sdelay $0x4  }
0x1c: {  	[tilespmem:s0+$0x8220] =	vst v1  }
0x1d: {  	v1 =	vld [tilespmem:$0xC230];
	_ =	sdelay $0x4  }
0x1e: {  	[tilespmem:s0+$0x8230] =	vst v1  }
0x1f: {  	v1 =	vld [tilespmem:$0xC240];
	_ =	sdelay $0x4  }
0x20: {  	[tilespmem:s0+$0x8240] =	vst v1  }
0x21: {  	v1 =	vld [tilespmem:$0xC250];
	_ =	sdelay $0x4  }
0x22: {  	[tilespmem:s0+$0x8250] =	vst v1  }
0x23: {  	v1 =	vld [tilespmem:$0xC260];
	_ =	sdelay $0x4  }
0x24: {  	[tilespmem:s0+$0x8260] =	vst v1  }
0x25: {  	v1 =	vld [tilespmem:$0xC270];
	_ =	sdelay $0x4  }
0x26: {  	[tilespmem:s0+$0x8270] =	vst v1  }
0x27: {  	v1 =	vld [tilespmem:$0xC280];
	_ =	sdelay $0x4  }
0x28: {  	[tilespmem:s0+$0x8600] =	vst v1  }
0x29: {  	v1 =	vld [tilespmem:$0xC290];
	_ =	sdelay $0x4  }
0x2a: {  	[tilespmem:s0+$0x8610] =	vst v1  }
0x2b: {  	v1 =	vld [tilespmem:$0xC2A0];
	_ =	sdelay $0x4  }
0x2c: {  	[tilespmem:s0+$0x8620] =	vst v1  }
0x2d: {  	v1 =	vld [tilespmem:$0xC2B0];
	_ =	sdelay $0x4  }
0x2e: {  	[tilespmem:s0+$0x8630] =	vst v1  }
0x2f: {  	v1 =	vld [tilespmem:$0xC2C0];
	_ =	sdelay $0x4  }
0x30: {  	[tilespmem:s0+$0x8640] =	vst v1  }
0x31: {  	v1 =	vld [tilespmem:$0xC2D0];
	_ =	sdelay $0x4  }
0x32: {  	[tilespmem:s0+$0x8650] =	vst v1  }
0x33: {  	v1 =	vld [tilespmem:$0xC2E0];
	_ =	sdelay $0x4  }
0x34: {  	[tilespmem:s0+$0x8660] =	vst v1  }
0x35: {  	v1 =	vld [tilespmem:$0xC2F0];
	_ =	sdelay $0x3  }
0x36: {  	s7 =	simm.s32 $0x0  }
0x37: {  	s11 =	rddreg [dreg:$0x8];
	s29 =	simm.s32 $0x8200;
	s2 =	simm.s32 $0x2;
	[tilespmem:s0+$0x8670] =	vst v1  }
0x38: {  	[hbm4b:s11+s7] =	stream.linear.scatter [tilespmem:s29], [sflag:$0x2], $0x4000, $0x38;
	[tilespmem:$0xC300] =	vst v63  }
0x39: {  	_ =	swait.ge [sflag:s2], $0x4000  }
0x3a: {  	s30 =	rddreg [dreg:$0xa]  }
0x3b: {  	s31 =	rddreg [dreg:$0x9];
	s1 =	sadd.s32 $0x1, s30  }
0x3c: {  	p0 =	sne.s32 s1, s31  }
.Ltmp1:
0x3d: {  	_ = 	snop;
	(pc) =	sbr.rel @!p0 .LBB2_17-.Ltmp1, $3  }
0x3e: {  	_ =	sdelay $0x1  }
0x3f: {  	[sflag:s2] =	ssyncset.done $0x0  }
0x40: {  	[sflag:s2] =	ssyncadd.s32 $0xFFFFC000  }
.LBB2_1:
0x41: {  	[dreg:$0xa] =	wrdreg s1  }
0x42: {  	s0 =	rddreg [dreg:$0x5]  }
0x43: {  	[tilespmem:s7], [sflag:$0x1] =	stream.linear.gather [hbm4b:s0+s7], $0x8000, $0x38;
	[tilespmem:$0xC300] =	vst v63  }
0x44: {  	s8 =	rddreg [dreg:$0x6];
	s9 =	simm.s32 $0x8000  }
0x45: {  	[tilespmem:s9], [sflag:$0x2] =	stream.linear.gather [hbm4b:s8+s7], $0x80, $0x38;
	[tilespmem:$0xC300] =	vst v63  }
0x46: {  	_ =	swait.ge [sflag:s2], $0x80  }
0x47: {  	[sflag:s2] =	ssyncset.done $0x0  }
0x48: {  	s11 =	simm.s32 $0x8100;
	s10 =	rddreg [dreg:$0x7];
	[sflag:s2] =	ssyncadd.s32 $0xFFFFFF80  }
0x49: {  	[tilespmem:s11], [sflag:$0x2] =	stream.linear.gather [hbm4b:s10+s7], $0x80, $0x38;
	[tilespmem:$0xC300] =	vst v63  }
0x4a: {  	_ =	swait.ge [sflag:s2], $0x80  }
0x4b: {  	[sflag:s2] =	ssyncset.done $0x0  }
0x4c: {  	[sflag:s2] =	ssyncadd.s32 $0xFFFFFF80  }
0x4d: {  	[tilespmem:$0xC200] =	vst v0  }
0x4e: {  	[tilespmem:$0xC210] =	vst v0  }
0x4f: {  	[tilespmem:$0xC220] =	vst v0  }
0x50: {  	[tilespmem:$0xC230] =	vst v0  }
0x51: {  	[tilespmem:$0xC240] =	vst v0  }
0x52: {  	[tilespmem:$0xC250] =	vst v0  }
0x53: {  	[tilespmem:$0xC260] =	vst v0  }
0x54: {  	[tilespmem:$0xC270] =	vst v0  }
0x55: {  	[tilespmem:$0xC280] =	vst v0  }
0x56: {  	[tilespmem:$0xC290] =	vst v0  }
0x57: {  	[tilespmem:$0xC2A0] =	vst v0  }
0x58: {  	[tilespmem:$0xC2B0] =	vst v0  }
0x59: {  	[tilespmem:$0xC2C0] =	vst v0  }
0x5a: {  	[tilespmem:$0xC2D0] =	vst v0  }
0x5b: {  	s29 =	sand.u32 $0x3800, s7;
	s30 =	sand.u32 $0x380, s7;
	[tilespmem:$0xC2E0] =	vst v0  }
0x5c: {  	s0 =	sor.u32 s30, s29;
	[tilespmem:$0xC2F0] =	vst v0  }
0x5d: {  	[tilespmem:s0+$0x8670] =	vst v0  }
0x5e: {  	[tilespmem:s0+$0x8200] =	vst v0  }
0x5f: {  	[tilespmem:s0+$0x8210] =	vst v0  }
0x60: {  	[tilespmem:s0+$0x8220] =	vst v0  }
0x61: {  	[tilespmem:s0+$0x8230] =	vst v0  }
0x62: {  	[tilespmem:s0+$0x8240] =	vst v0  }
0x63: {  	[tilespmem:s0+$0x8250] =	vst v0  }
0x64: {  	[tilespmem:s0+$0x8260] =	vst v0  }
0x65: {  	[tilespmem:s0+$0x8270] =	vst v0  }
0x66: {  	[tilespmem:s0+$0x8600] =	vst v0  }
0x67: {  	[tilespmem:s0+$0x8610] =	vst v0  }
0x68: {  	[tilespmem:s0+$0x8620] =	vst v0  }
0x69: {  	[tilespmem:s0+$0x8630] =	vst v0  }
0x6a: {  	s31 =	simm.s32 $0x100;
	s1 =	simm.s32 $0x80;
	[tilespmem:s0+$0x8640] =	vst v0  }
0x6b: {  	s3 =	sand.u32 $0x3800, s31;
	s4 =	sand.u32 $0x380, s1;
	s2 =	simm.s32 $0x200;
	[tilespmem:s0+$0x8650] =	vst v0  }
.LBB2_2:
0x6c: {  	p0 =	sne.s32 s2, $0x3F00;
	[tilespmem:s0+$0x8660] =	vst v0;
	s0 =	sor.u32 s4, s3  }
0x6d: {  	[tilespmem:s0+$0x8670] =	vst v0  }
0x6e: {  	[tilespmem:s0+$0x8200] =	vst v0  }
0x6f: {  	[tilespmem:s0+$0x8210] =	vst v0  }
0x70: {  	[tilespmem:s0+$0x8220] =	vst v0  }
0x71: {  	[tilespmem:s0+$0x8230] =	vst v0  }
0x72: {  	[tilespmem:s0+$0x8240] =	vst v0  }
0x73: {  	[tilespmem:s0+$0x8250] =	vst v0  }
0x74: {  	[tilespmem:s0+$0x8260] =	vst v0  }
0x75: {  	[tilespmem:s0+$0x8270] =	vst v0  }
0x76: {  	[tilespmem:s0+$0x8600] =	vst v0  }
.Ltmp2:
0x77: {  	[tilespmem:s0+$0x8610] =	vst v0;
	(pc) =	sbr.rel @p0 .LBB2_2-.Ltmp2, $4  }
0x78: {  	[tilespmem:s0+$0x8620] =	vst v0  }
0x79: {  	[tilespmem:s0+$0x8630] =	vst v0  }
0x7a: {  	s1 =	sadd.s32 $0x80, s1;
	[tilespmem:s0+$0x8640] =	vst v0  }
0x7b: {  	s3 =	sand.u32 $0x3800, s2;
	s2 =	sadd.s32 $0x100, s2;
	s4 =	sand.u32 $0x380, s1;
	[tilespmem:s0+$0x8650] =	vst v0  }
0x7c: {  	s1 =	sor.u32 s4, s3;
	[tilespmem:s0+$0x8660] =	vst v0  }
0x7d: {  	[tilespmem:s1+$0x8670] =	vst v0  }
0x7e: {  	[tilespmem:s1+$0x8200] =	vst v0  }
0x7f: {  	[tilespmem:s1+$0x8210] =	vst v0  }
0x80: {  	[tilespmem:s1+$0x8220] =	vst v0  }
0x81: {  	[tilespmem:s1+$0x8230] =	vst v0  }
0x82: {  	[tilespmem:s1+$0x8240] =	vst v0  }
0x83: {  	[tilespmem:s1+$0x8250] =	vst v0  }
0x84: {  	[tilespmem:s1+$0x8260] =	vst v0  }
0x85: {  	[tilespmem:s1+$0x8270] =	vst v0  }
0x86: {  	[tilespmem:s1+$0x8600] =	vst v0  }
0x87: {  	[tilespmem:s1+$0x8610] =	vst v0  }
0x88: {  	[tilespmem:s1+$0x8620] =	vst v0  }
0x89: {  	[tilespmem:s1+$0x8630] =	vst v0  }
0x8a: {  	[tilespmem:s1+$0x8640] =	vst v0  }
0x8b: {  	[tilespmem:s1+$0x8650] =	vst v0  }
0x8c: {  	[tilespmem:s1+$0x8660] =	vst v0  }
0x8d: {  	v1 =	vld [tilespmem:$0x8100];
	_ =	sdelay $0x4  }
0x8e: {  	(v2sf) =	vpush v1, $0x0;
	_ =	sdelay $0xe  }
0x8f: {  	s9 =	spop (v2sf)  }
0x90: {  	s30 =	simm.s32 $0x1;
	[smem:$0x0] =	sst s9  }
0x91: {  	_ =	swait.ge [sflag:s30], $0x8000  }
0x92: {  	[sflag:s30] =	ssyncset.done $0x0  }
0x93: {  	[sflag:s30] =	ssyncadd.s32 $0xFFFF8000  }
0x94: {  	v1 =	vld [tilespmem:$0x8170];
	_ =	sdelay $0x4  }
0x95: {  	(v2sf) =	vpush v1, $0xF;
	_ =	sdelay $0xe  }
0x96: {  	s31 =	spop (v2sf)  }
0x97: {  	p0 =	sne.s32 s31, s9  }
.Ltmp3:
0x98: {  	_ = 	snop;
	(pc) =	sbr.rel @p0 .LBB2_4-.Ltmp3, $2  }
0x99: {  	_ =	sdelay $0x2  }
0x9a: {  	s7 =	simm.s32 $0x8100;
	v3 =	vimm.f32 $0.0e+00;
	s6 =	simm.s32 $0x8000;
	s1 =	simm.s32 $0x0  }
0x9b: {  	s0 =	sand.u32 $0x7800, s1;
	s31 =	sand.u32 $0x380, s1  }
0x9c: {  	v2 =	vld.msk [tilespmem:s6+$0x0 ss:$0x0], $0xffff;
	s4 =	sor.u32 s31, s0  }
0x9d: {  	v1 =	vld [tilespmem:s4+$0x470]  }
0x9e: {  	v4 =	vld [tilespmem:s4+$0x0]  }
0x9f: {  	v5 =	vld [tilespmem:s4+$0x10]  }
0xa0: {  	v6 =	vld [tilespmem:s4+$0x20]  }
0xa1: {  	v16 =	vld [tilespmem:s4+$0x400]  }
0xa2: {  	v17 =	vld [tilespmem:s4+$0x410]  }
0xa3: {  	v7 =	vld [tilespmem:s4+$0x30]  }
0xa4: {  	v8 =	vld [tilespmem:s4+$0x40]  }
0xa5: {  	v10 =	vld [tilespmem:s4+$0x60];
	v1 =	vmul.f32 v1, v2  }
0xa6: {  	v9 =	vld [tilespmem:s4+$0x50];
	v4 =	vmul.f32 v2, v4;
	v5 =	vmul.f32 v5, v2  }
0xa7: {  	v15 =	vld [tilespmem:s4+$0x70];
	v23 =	vmul.f32 v16, v2;
	v24 =	vmul.f32 v17, v2  }
0xa8: {  	v17 =	vimm.f32 $0.0e+00;
	v16 =	vimm.f32 $0.0e+00;
	v14 =	vadd.f32 v4, v3  }
0xa9: {  	v4 =	vmul.f32 v6, v2;
	v13 =	vadd.f32 v5, v3;
	v5 =	vmul.f32 v7, v2  }
0xaa: {  	v22 =	vld [tilespmem:s4+$0x420];
	v1 =	vadd.f32 v1, v3;
	v6 =	vmul.f32 v8, v2;
	v7 =	vmul.f32 v10, v2  }
0xab: {  	v20 =	vld [tilespmem:s4+$0x430];
	v11 =	vadd.f32 v4, v3;
	v4 =	vmul.f32 v9, v2;
	v12 =	vadd.f32 v5, v3  }
0xac: {  	v18 =	vld [tilespmem:s4+$0x440];
	v10 =	vadd.f32 v6, v3;
	v5 =	vmul.f32 v15, v2;
	v7 =	vadd.f32 v7, v3  }
0xad: {  	s2 =	simm.s32 $0x100;
	s1 =	simm.s32 $0x80;
	s0 =	simm.s32 $0x8001;
	v19 =	vld [tilespmem:s4+$0x450];
	v15 =	vimm.f32 $0.0e+00;
	v9 =	vimm.f32 $0.0e+00;
	v8 =	vadd.f32 v4, v3  }
0xae: {  	s5 =	sand.u32 $0x7800, s2;
	s6 =	sand.u32 $0x380, s1;
	s2 =	simm.s32 $0x200;
	v21 =	vld [tilespmem:s4+$0x460];
	v6 =	vadd.f32 v5, v3;
	v5 =	vimm.f32 $0.0e+00;
	v4 =	vimm.f32 $0.0e+00  }
.LBB2_10:
0xaf: {  	p0 =	sne.s32 s2, $0x7F00;
	s4 =	sor.u32 s6, s5;
	v25 =	vld.msk [tilespmem:s0+$0x0 ss:$0x0], $0xffff;
	v3 =	vadd.f32 v23, v3;
	v22 =	vmul.f32 v22, v2  }
0xb0: {  	v23 =	vld [tilespmem:s4+$0x470];
	v17 =	vadd.f32 v24, v17;
	v20 =	vmul.f32 v20, v2  }
0xb1: {  	v24 =	vld [tilespmem:s4+$0x0];
	v16 =	vadd.f32 v22, v16;
	v18 =	vmul.f32 v18, v2  }
0xb2: {  	v22 =	vld [tilespmem:s4+$0x10];
	v15 =	vadd.f32 v20, v15;
	v19 =	vmul.f32 v19, v2  }
0xb3: {  	v20 =	vld [tilespmem:s4+$0x20];
	v9 =	vadd.f32 v18, v9;
	v26 =	vmul.f32 v21, v2  }
0xb4: {  	v18 =	vld [tilespmem:s4+$0x30];
	v5 =	vadd.f32 v19, v5  }
0xb5: {  	v2 =	vmov v25;
	v19 =	vld [tilespmem:s4+$0x40];
	v21 =	vmul.f32 v23, v25;
	v4 =	vadd.f32 v26, v4  }
0xb6: {  	v23 =	vmul.f32 v2, v24;
	v24 =	vld [tilespmem:s4+$0x50]  }
0xb7: {  	v22 =	vmul.f32 v22, v2;
	v25 =	vld [tilespmem:s4+$0x60];
	v1 =	vadd.f32 v21, v1  }
0xb8: {  	v14 =	vadd.f32 v23, v14;
	v20 =	vmul.f32 v20, v2;
	v21 =	vld [tilespmem:s4+$0x70]  }
0xb9: {  	v13 =	vadd.f32 v22, v13;
	v18 =	vmul.f32 v18, v2;
	v23 =	vld [tilespmem:s4+$0x400]  }
0xba: {  	v11 =	vadd.f32 v20, v11;
	v19 =	vmul.f32 v19, v2;
	v26 =	vld [tilespmem:s4+$0x410]  }
.Ltmp4:
0xbb: {  	v12 =	vadd.f32 v18, v12;
	v18 =	vmul.f32 v24, v2;
	v22 =	vld [tilespmem:s4+$0x420];
	(pc) =	sbr.rel @p0 .LBB2_10-.Ltmp4, $4  }
0xbc: {  	v10 =	vadd.f32 v19, v10;
	v19 =	vmul.f32 v25, v2;
	v20 =	vld [tilespmem:s4+$0x430]  }
0xbd: {  	v8 =	vadd.f32 v18, v8;
	v21 =	vmul.f32 v21, v2;
	v18 =	vld [tilespmem:s4+$0x440]  }
0xbe: {  	s1 =	sadd.s32 $0x80, s1;
	s0 =	sadd.s32 $0x1, s0;
	v7 =	vadd.f32 v19, v7;
	v23 =	vmul.f32 v23, v2;
	v19 =	vld [tilespmem:s4+$0x450]  }
0xbf: {  	s5 =	sand.u32 $0x7800, s2;
	s2 =	sadd.s32 $0x100, s2;
	s6 =	sand.u32 $0x380, s1;
	v6 =	vadd.f32 v21, v6;
	v24 =	vmul.f32 v26, v2;
	v21 =	vld [tilespmem:s4+$0x460]  }
0xc0: {  	s1 =	sor.u32 s6, s5;
	v25 =	vld.msk [tilespmem:s0+$0x0 ss:$0x0], $0xffff  }
0xc1: {  	v26 =	vld [tilespmem:s1+$0x470]  }
0xc2: {  	v27 =	vld [tilespmem:s1+$0x0]  }
0xc3: {  	v28 =	vld [tilespmem:s1+$0x10]  }
0xc4: {  	v29 =	vld [tilespmem:s1+$0x20]  }
0xc5: {  	v30 =	vld [tilespmem:s1+$0x30]  }
0xc6: {  	v31 =	vld [tilespmem:s1+$0x40]  }
0xc7: {  	v32 =	vld [tilespmem:s1+$0x50]  }
0xc8: {  	v33 =	vld [tilespmem:s1+$0x60]  }
0xc9: {  	v34 =	vld [tilespmem:s1+$0x70]  }
0xca: {  	v35 =	vld [tilespmem:s1+$0x400]  }
0xcb: {  	v36 =	vld [tilespmem:s1+$0x410]  }
0xcc: {  	v37 =	vld [tilespmem:s1+$0x420]  }
0xcd: {  	v38 =	vld [tilespmem:s1+$0x430];
	v27 =	vmul.f32 v25, v27  }
0xce: {  	v39 =	vld [tilespmem:s1+$0x440];
	v28 =	vmul.f32 v28, v25  }
0xcf: {  	v40 =	vld [tilespmem:s1+$0x450];
	v63 =	vmul.f32 v29, v25;
	v14 =	vadd.f32 v27, v14  }
0xd0: {  	v3 =	vadd.f32 v23, v3;
	v42 =	vld [tilespmem:s1+$0x460];
	v41 =	vmul.f32 v30, v25;
	v13 =	vadd.f32 v28, v13  }
0xd1: {  	v44 =	vmul.f32 v22, v2;
	v43 =	vmul.f32 v31, v25;
	v11 =	vadd.f32 v63, v11;
	[tilespmem:s12+$0x0] =	vst.add.f32.msk $0xffff, v14  }
0xd2: {  	v17 =	vadd.f32 v24, v17;
	v45 =	vmul.f32 v32, v25;
	v12 =	vadd.f32 v41, v12;
	[tilespmem:s13+$0x0] =	vst.add.f32.msk $0xffff, v13  }
0xd3: {  	v46 =	vmul.f32 v20, v2;
	v47 =	vmul.f32 v33, v25;
	v10 =	vadd.f32 v43, v10;
	[tilespmem:s14+$0x0] =	vst.add.f32.msk $0xffff, v11  }
0xd4: {  	v50 =	vmul.f32 v18, v2;
	v48 =	vmul.f32 v34, v25;
	v8 =	vadd.f32 v45, v8;
	[tilespmem:s15+$0x0] =	vst.add.f32.msk $0xffff, v12  }
0xd5: {  	v52 =	vmul.f32 v19, v2;
	v49 =	vmul.f32 v35, v25;
	v7 =	vadd.f32 v47, v7;
	[tilespmem:s16+$0x0] =	vst.add.f32.msk $0xffff, v10  }
0xd6: {  	v54 =	vadd.f32 v50, v9;
	v51 =	vmul.f32 v36, v25;
	v6 =	vadd.f32 v48, v6;
	[tilespmem:s17+$0x0] =	vst.add.f32.msk $0xffff, v8  }
0xd7: {  	v53 =	vmul.f32 v37, v25;
	v3 =	vadd.f32 v49, v3;
	v13 =	vadd.f32 v44, v16;
	[tilespmem:s18+$0x0] =	vst.add.f32.msk $0xffff, v7  }
0xd8: {  	v56 =	vmul.f32 v38, v25;
	v55 =	vadd.f32 v51, v17;
	v11 =	vadd.f32 v46, v15;
	[tilespmem:s19+$0x0] =	vst.add.f32.msk $0xffff, v6  }
0xd9: {  	v2 =	vmul.f32 v21, v2;
	v58 =	vmul.f32 v39, v25;
	v57 =	vadd.f32 v53, v13;
	[tilespmem:s20+$0x0] =	vst.add.f32.msk $0xffff, v3  }
0xda: {  	v60 =	vmul.f32 v40, v25;
	v59 =	vadd.f32 v56, v11;
	v3 =	vadd.f32 v52, v5;
	[tilespmem:s21+$0x0] =	vst.add.f32.msk $0xffff, v55  }
0xdb: {  	v2 =	vadd.f32 v2, v4;
	v62 =	vmul.f32 v42, v25;
	v61 =	vadd.f32 v58, v54;
	[tilespmem:s22+$0x0] =	vst.add.f32.msk $0xffff, v57  }
.Ltmp5:
0xdc: {  	v63 =	vmul.f32 v26, v25;
	v3 =	vadd.f32 v60, v3;
	[tilespmem:s23+$0x0] =	vst.add.f32.msk $0xffff, v59;
	(pc) =	sbr.rel .LBB2_16-.Ltmp5, $4  }
0xdd: {  	v2 =	vadd.f32 v62, v2;
	[tilespmem:s24+$0x0] =	vst.add.f32.msk $0xffff, v61  }
0xde: {  	v1 =	vadd.f32 v63, v1;
	[tilespmem:s25+$0x0] =	vst.add.f32.msk $0xffff, v3  }
0xdf: {  	[tilespmem:s26+$0x0] =	vst.add.f32.msk $0xffff, v2  }
0xe0: {  	[tilespmem:s28+$0x0] =	vst.add.f32.msk $0xffff, v1  }
.LBB2_4:
.Ltmp6:
0xe1: {  	(pc) =	sbr.rel .LBB2_5-.Ltmp6, $2  }
0xe2: {  	_ =	sdelay $0x2  }
0xe3: {  	s10 =	simm.s32 $0x0;
	s29 =	simm.s32 $0x0  }
.LBB2_14:
0xe4: {  	[tilespmem:s28+$0x0] =	vst.add.f32.msk $0xffff, v1;
	s1 =	simm.s32 $0x0  }
.LBB2_15:
0xe5: {  	s29 =	sadd.s32 $0x1, s29  }
0xe6: {  	p0 =	sne.s32 s29, $0x8  }
.Ltmp7:
0xe7: {  	_ = 	snop;
	(pc) =	sbr.rel @!p0 .LBB2_16-.Ltmp7, $2  }
0xe8: {  	_ =	sdelay $0x2  }
0xe9: {  	s6 =	sadd.s32 $0x10, s6;
	s7 =	sadd.s32 $0x10, s7;
	s10 =	sadd.s32 $0x1000, s10  }
.LBB2_5:
0xea: {  	s0 =	sshll.u32 s29, $0x4  }
0xeb: {  	v1 =	vld [tilespmem:s0+$0x8100];
	_ =	sdelay $0x4  }
0xec: {  	(v2sf) =	vpush v1, $0xF;
	_ =	sdelay $0xe  }
0xed: {  	s31 =	spop (v2sf)  }
0xee: {  	p0 =	sne.s32 s31, s9  }
.Ltmp8:
0xef: {  	_ = 	snop;
	(pc) =	sbr.rel @p0 .LBB2_12-.Ltmp8, $2  }
0xf0: {  	_ =	sdelay $0x2  }
0xf1: {  	v3 =	vimm.f32 $0.0e+00  }
0xf2: {  	s0 =	sand.u32 $0x7800, s10;
	s2 =	sand.u32 $0x380, s1  }
0xf3: {  	v2 =	vld.msk [tilespmem:s6+$0x0 ss:$0x0], $0xffff;
	s5 =	sor.u32 s2, s0  }
0xf4: {  	v1 =	vld [tilespmem:s5+$0x470]  }
0xf5: {  	v4 =	vld [tilespmem:s5+$0x0]  }
0xf6: {  	v5 =	vld [tilespmem:s5+$0x10]  }
0xf7: {  	v6 =	vld [tilespmem:s5+$0x20]  }
0xf8: {  	v16 =	vld [tilespmem:s5+$0x400]  }
0xf9: {  	v17 =	vld [tilespmem:s5+$0x410]  }
0xfa: {  	v7 =	vld [tilespmem:s5+$0x30]  }
0xfb: {  	v8 =	vld [tilespmem:s5+$0x40]  }
0xfc: {  	v10 =	vld [tilespmem:s5+$0x60];
	v1 =	vmul.f32 v1, v2  }
0xfd: {  	v9 =	vld [tilespmem:s5+$0x50];
	v4 =	vmul.f32 v2, v4;
	v5 =	vmul.f32 v5, v2  }
0xfe: {  	v15 =	vld [tilespmem:s5+$0x70];
	v23 =	vmul.f32 v16, v2;
	v24 =	vmul.f32 v17, v2  }
0xff: {  	v17 =	vimm.f32 $0.0e+00;
	v16 =	vimm.f32 $0.0e+00;
	v14 =	vadd.f32 v4, v3  }
0x100: {  	v4 =	vmul.f32 v6, v2;
	v13 =	vadd.f32 v5, v3;
	v5 =	vmul.f32 v7, v2  }
0x101: {  	v22 =	vld [tilespmem:s5+$0x420];
	v1 =	vadd.f32 v1, v3;
	v6 =	vmul.f32 v8, v2;
	v7 =	vmul.f32 v10, v2  }
0x102: {  	v20 =	vld [tilespmem:s5+$0x430];
	v11 =	vadd.f32 v4, v3;
	v4 =	vmul.f32 v9, v2;
	v12 =	vadd.f32 v5, v3  }
0x103: {  	v18 =	vld [tilespmem:s5+$0x440];
	v10 =	vadd.f32 v6, v3;
	v5 =	vmul.f32 v15, v2;
	v7 =	vadd.f32 v7, v3  }
0x104: {  	s4 =	simm.s32 $0x80;
	s0 =	sadd.s32 $0x1, s6;
	s2 =	sadd.s32 $0x100, s10;
	v19 =	vld [tilespmem:s5+$0x450];
	v15 =	vimm.f32 $0.0e+00;
	v9 =	vimm.f32 $0.0e+00;
	v8 =	vadd.f32 v4, v3  }
0x105: {  	s11 =	sand.u32 $0x380, s4;
	s4 =	simm.s32 $0x100;
	s8 =	sand.u32 $0x7800, s2;
	v21 =	vld [tilespmem:s5+$0x460];
	v6 =	vadd.f32 v5, v3;
	v5 =	vimm.f32 $0.0e+00;
	v4 =	vimm.f32 $0.0e+00  }
.LBB2_7:
0x106: {  	p0 =	sne.s32 s4, $0x780;
	s5 =	sor.u32 s11, s8;
	v25 =	vld.msk [tilespmem:s0+$0x0 ss:$0x0], $0xffff;
	v3 =	vadd.f32 v23, v3;
	v22 =	vmul.f32 v22, v2  }
0x107: {  	v23 =	vld [tilespmem:s5+$0x470];
	v17 =	vadd.f32 v24, v17;
	v20 =	vmul.f32 v20, v2  }
0x108: {  	v24 =	vld [tilespmem:s5+$0x0];
	v16 =	vadd.f32 v22, v16;
	v18 =	vmul.f32 v18, v2  }
0x109: {  	v22 =	vld [tilespmem:s5+$0x10];
	v15 =	vadd.f32 v20, v15;
	v19 =	vmul.f32 v19, v2  }
0x10a: {  	v20 =	vld [tilespmem:s5+$0x20];
	v9 =	vadd.f32 v18, v9;
	v26 =	vmul.f32 v21, v2  }
0x10b: {  	v18 =	vld [tilespmem:s5+$0x30];
	v5 =	vadd.f32 v19, v5  }
0x10c: {  	v2 =	vmov v25;
	v19 =	vld [tilespmem:s5+$0x40];
	v21 =	vmul.f32 v23, v25;
	v4 =	vadd.f32 v26, v4  }
0x10d: {  	v23 =	vmul.f32 v2, v24;
	v24 =	vld [tilespmem:s5+$0x50]  }
0x10e: {  	v22 =	vmul.f32 v22, v2;
	v25 =	vld [tilespmem:s5+$0x60];
	v1 =	vadd.f32 v21, v1  }
0x10f: {  	v14 =	vadd.f32 v23, v14;
	v20 =	vmul.f32 v20, v2;
	v21 =	vld [tilespmem:s5+$0x70]  }
0x110: {  	v13 =	vadd.f32 v22, v13;
	v18 =	vmul.f32 v18, v2;
	v23 =	vld [tilespmem:s5+$0x400]  }
0x111: {  	v11 =	vadd.f32 v20, v11;
	v19 =	vmul.f32 v19, v2;
	v26 =	vld [tilespmem:s5+$0x410]  }
.Ltmp9:
0x112: {  	v12 =	vadd.f32 v18, v12;
	v18 =	vmul.f32 v24, v2;
	v22 =	vld [tilespmem:s5+$0x420];
	(pc) =	sbr.rel @p0 .LBB2_7-.Ltmp9, $4  }
0x113: {  	v10 =	vadd.f32 v19, v10;
	v19 =	vmul.f32 v25, v2;
	v20 =	vld [tilespmem:s5+$0x430]  }
0x114: {  	v8 =	vadd.f32 v18, v8;
	v21 =	vmul.f32 v21, v2;
	v18 =	vld [tilespmem:s5+$0x440]  }
0x115: {  	s0 =	sadd.s32 $0x1, s0;
	s2 =	sadd.s32 $0x100, s2;
	v7 =	vadd.f32 v19, v7;
	v23 =	vmul.f32 v23, v2;
	v19 =	vld [tilespmem:s5+$0x450]  }
0x116: {  	s11 =	sand.u32 $0x380, s4;
	s4 =	sadd.s32 $0x80, s4;
	s8 =	sand.u32 $0x7800, s2;
	v6 =	vadd.f32 v21, v6;
	v24 =	vmul.f32 v26, v2;
	v21 =	vld [tilespmem:s5+$0x460]  }
0x117: {  	s2 =	sor.u32 s11, s8;
	v25 =	vld.msk [tilespmem:s0+$0x0 ss:$0x0], $0xffff  }
0x118: {  	v26 =	vld [tilespmem:s2+$0x470]  }
0x119: {  	v27 =	vld [tilespmem:s2+$0x0]  }
0x11a: {  	v28 =	vld [tilespmem:s2+$0x10]  }
0x11b: {  	v29 =	vld [tilespmem:s2+$0x20]  }
0x11c: {  	v30 =	vld [tilespmem:s2+$0x30]  }
0x11d: {  	v31 =	vld [tilespmem:s2+$0x40]  }
0x11e: {  	v32 =	vld [tilespmem:s2+$0x50]  }
0x11f: {  	v33 =	vld [tilespmem:s2+$0x60]  }
0x120: {  	v34 =	vld [tilespmem:s2+$0x70]  }
0x121: {  	v35 =	vld [tilespmem:s2+$0x400]  }
0x122: {  	v36 =	vld [tilespmem:s2+$0x410]  }
0x123: {  	v37 =	vld [tilespmem:s2+$0x420]  }
0x124: {  	v38 =	vld [tilespmem:s2+$0x430];
	v27 =	vmul.f32 v25, v27  }
0x125: {  	v39 =	vld [tilespmem:s2+$0x440];
	v28 =	vmul.f32 v28, v25  }
0x126: {  	v40 =	vld [tilespmem:s2+$0x450];
	v63 =	vmul.f32 v29, v25;
	v14 =	vadd.f32 v27, v14  }
0x127: {  	v3 =	vadd.f32 v23, v3;
	v42 =	vld [tilespmem:s2+$0x460];
	v41 =	vmul.f32 v30, v25;
	v13 =	vadd.f32 v28, v13  }
0x128: {  	v44 =	vmul.f32 v22, v2;
	v43 =	vmul.f32 v31, v25;
	v11 =	vadd.f32 v63, v11;
	[tilespmem:s12+$0x0] =	vst.add.f32.msk $0xffff, v14  }
0x129: {  	v17 =	vadd.f32 v24, v17;
	v45 =	vmul.f32 v32, v25;
	v12 =	vadd.f32 v41, v12;
	[tilespmem:s13+$0x0] =	vst.add.f32.msk $0xffff, v13  }
0x12a: {  	v46 =	vmul.f32 v20, v2;
	v47 =	vmul.f32 v33, v25;
	v10 =	vadd.f32 v43, v10;
	[tilespmem:s14+$0x0] =	vst.add.f32.msk $0xffff, v11  }
0x12b: {  	v50 =	vmul.f32 v18, v2;
	v48 =	vmul.f32 v34, v25;
	v8 =	vadd.f32 v45, v8;
	[tilespmem:s15+$0x0] =	vst.add.f32.msk $0xffff, v12  }
0x12c: {  	v52 =	vmul.f32 v19, v2;
	v49 =	vmul.f32 v35, v25;
	v7 =	vadd.f32 v47, v7;
	[tilespmem:s16+$0x0] =	vst.add.f32.msk $0xffff, v10  }
0x12d: {  	v54 =	vadd.f32 v50, v9;
	v51 =	vmul.f32 v36, v25;
	v6 =	vadd.f32 v48, v6;
	[tilespmem:s17+$0x0] =	vst.add.f32.msk $0xffff, v8  }
0x12e: {  	v53 =	vmul.f32 v37, v25;
	v3 =	vadd.f32 v49, v3;
	v13 =	vadd.f32 v44, v16;
	[tilespmem:s18+$0x0] =	vst.add.f32.msk $0xffff, v7  }
0x12f: {  	v56 =	vmul.f32 v38, v25;
	v55 =	vadd.f32 v51, v17;
	v11 =	vadd.f32 v46, v15;
	[tilespmem:s19+$0x0] =	vst.add.f32.msk $0xffff, v6  }
0x130: {  	v2 =	vmul.f32 v21, v2;
	v58 =	vmul.f32 v39, v25;
	v57 =	vadd.f32 v53, v13;
	[tilespmem:s20+$0x0] =	vst.add.f32.msk $0xffff, v3  }
0x131: {  	v60 =	vmul.f32 v40, v25;
	v59 =	vadd.f32 v56, v11;
	v3 =	vadd.f32 v52, v5;
	[tilespmem:s21+$0x0] =	vst.add.f32.msk $0xffff, v55  }
0x132: {  	v2 =	vadd.f32 v2, v4;
	v62 =	vmul.f32 v42, v25;
	v61 =	vadd.f32 v58, v54;
	[tilespmem:s22+$0x0] =	vst.add.f32.msk $0xffff, v57  }
.Ltmp10:
0x133: {  	v63 =	vmul.f32 v26, v25;
	v3 =	vadd.f32 v60, v3;
	[tilespmem:s23+$0x0] =	vst.add.f32.msk $0xffff, v59;
	(pc) =	sbr.rel .LBB2_15-.Ltmp10, $4  }
0x134: {  	v2 =	vadd.f32 v62, v2;
	[tilespmem:s24+$0x0] =	vst.add.f32.msk $0xffff, v61  }
0x135: {  	v1 =	vadd.f32 v63, v1;
	[tilespmem:s25+$0x0] =	vst.add.f32.msk $0xffff, v3  }
0x136: {  	[tilespmem:s26+$0x0] =	vst.add.f32.msk $0xffff, v2  }
0x137: {  	[tilespmem:s28+$0x0] =	vst.add.f32.msk $0xffff, v1  }
.LBB2_12:
0x138: {  	v1 =	vld [tilespmem:s7+$0x0];
	_ =	sdelay $0x4  }
0x139: {  	(v2sf) =	vpush v1, $0x0;
	_ =	sdelay $0xe  }
0x13a: {  	s3 =	spop (v2sf)  }
0x13b: {  	p0 =	seq.s32 s3, s9  }
0x13c: {  	v1 =	vld @!p0 [tilespmem:$0xC200];
	_ =	sdelay $0x1  }
0x13d: {  	s0 =	sshll.u32 @!p0 s9, $0x8;
	s2 =	sshll.u32 @!p0 s9, $0x7  }
0x13e: {  	s0 =	sand.u32 @!p0 $0xFFFFF800, s0;
	s2 =	sand.u32 @!p0 $0x380, s2  }
0x13f: {  	s0 =	sor.u32 @!p0 s2, s0  }
0x140: {  	v2 =	vld [tilespmem:s6+$0x0];
	[tilespmem:s0+$0x8200] =	vst @!p0 v1  }
0x141: {  	v1 =	vld @!p0 [tilespmem:$0xC210];
	_ =	sdelay $0x2  }
0x142: {  	v3 =	vimm.f32 @!p0 $0.0e+00  }
0x143: {  	[tilespmem:$0xC200] =	vst @!p0 v3  }
0x144: {  	[tilespmem:s0+$0x8210] =	vst @!p0 v1  }
0x145: {  	v1 =	vld @!p0 [tilespmem:$0xC220];
	_ =	sdelay $0x3  }
0x146: {  	[tilespmem:$0xC210] =	vst @!p0 v3  }
0x147: {  	[tilespmem:s0+$0x8220] =	vst @!p0 v1  }
0x148: {  	v1 =	vld @!p0 [tilespmem:$0xC230];
	_ =	sdelay $0x3  }
0x149: {  	[tilespmem:$0xC220] =	vst @!p0 v3  }
0x14a: {  	[tilespmem:s0+$0x8230] =	vst @!p0 v1  }
0x14b: {  	v1 =	vld @!p0 [tilespmem:$0xC240];
	_ =	sdelay $0x3  }
0x14c: {  	[tilespmem:$0xC230] =	vst @!p0 v3  }
0x14d: {  	[tilespmem:s0+$0x8240] =	vst @!p0 v1  }
0x14e: {  	v1 =	vld @!p0 [tilespmem:$0xC250];
	_ =	sdelay $0x3  }
0x14f: {  	[tilespmem:$0xC240] =	vst @!p0 v3  }
0x150: {  	[tilespmem:s0+$0x8250] =	vst @!p0 v1  }
0x151: {  	v1 =	vld @!p0 [tilespmem:$0xC260];
	_ =	sdelay $0x3  }
0x152: {  	[tilespmem:$0xC250] =	vst @!p0 v3  }
0x153: {  	[tilespmem:s0+$0x8260] =	vst @!p0 v1  }
0x154: {  	v1 =	vld @!p0 [tilespmem:$0xC270];
	_ =	sdelay $0x3  }
0x155: {  	[tilespmem:$0xC260] =	vst @!p0 v3  }
0x156: {  	[tilespmem:s0+$0x8270] =	vst @!p0 v1  }
0x157: {  	v1 =	vld @!p0 [tilespmem:$0xC280];
	_ =	sdelay $0x3  }
0x158: {  	[tilespmem:$0xC270] =	vst @!p0 v3  }
0x159: {  	[tilespmem:s0+$0x8600] =	vst @!p0 v1  }
0x15a: {  	v1 =	vld @!p0 [tilespmem:$0xC290];
	_ =	sdelay $0x3  }
0x15b: {  	[tilespmem:$0xC280] =	vst @!p0 v3  }
0x15c: {  	[tilespmem:s0+$0x8610] =	vst @!p0 v1  }
0x15d: {  	v1 =	vld @!p0 [tilespmem:$0xC2A0];
	_ =	sdelay $0x3  }
0x15e: {  	[tilespmem:$0xC290] =	vst @!p0 v3  }
0x15f: {  	[tilespmem:s0+$0x8620] =	vst @!p0 v1  }
0x160: {  	v1 =	vld @!p0 [tilespmem:$0xC2B0];
	_ =	sdelay $0x3  }
0x161: {  	[tilespmem:$0xC2A0] =	vst @!p0 v3  }
0x162: {  	[tilespmem:s0+$0x8630] =	vst @!p0 v1  }
0x163: {  	v1 =	vld @!p0 [tilespmem:$0xC2C0];
	_ =	sdelay $0x3  }
0x164: {  	[tilespmem:$0xC2B0] =	vst @!p0 v3  }
0x165: {  	[tilespmem:s0+$0x8640] =	vst @!p0 v1  }
0x166: {  	v1 =	vld @!p0 [tilespmem:$0xC2D0];
	_ =	sdelay $0x3  }
0x167: {  	[tilespmem:$0xC2C0] =	vst @!p0 v3  }
0x168: {  	[tilespmem:s0+$0x8650] =	vst @!p0 v1  }
0x169: {  	v1 =	vld @!p0 [tilespmem:$0xC2E0];
	_ =	sdelay $0x3  }
0x16a: {  	[tilespmem:$0xC2D0] =	vst @!p0 v3  }
0x16b: {  	[tilespmem:s0+$0x8660] =	vst @!p0 v1  }
0x16c: {  	v1 =	vld @!p0 [tilespmem:$0xC2F0];
	_ =	sdelay $0x3  }
0x16d: {  	[tilespmem:$0xC2E0] =	vst @!p0 v3  }
0x16e: {  	s30 =	sand.u32 $0x7800, s10;
	s31 =	sand.u32 $0x380, s1;
	[tilespmem:s0+$0x8670] =	vst @!p0 v1  }
0x16f: {  	s0 =	sor.u32 s31, s30;
	[tilespmem:$0xC2F0] =	vst @!p0 v3  }
0x170: {  	v1 =	vld [tilespmem:s0+$0x0];
	_ =	sdelay $0x2  }
0x171: {  	v2 =	vbroadcast v2, $0x0;
	_ =	sdelay $0x1  }
0x172: {  	v1 =	vmul.f32 v1, v2;
	_ =	sdelay $0x1  }
0x173: {  	[tilespmem:s12+$0x0] =	vst.add.f32.msk $0xffff, v1  }
0x174: {  	v1 =	vld [tilespmem:s0+$0x10];
	_ =	sdelay $0x4  }
0x175: {  	v1 =	vmul.f32 v1, v2;
	_ =	sdelay $0x1  }
0x176: {  	[tilespmem:s13+$0x0] =	vst.add.f32.msk $0xffff, v1  }
0x177: {  	v1 =	vld [tilespmem:s0+$0x20];
	_ =	sdelay $0x4  }
0x178: {  	v1 =	vmul.f32 v1, v2;
	_ =	sdelay $0x1  }
0x179: {  	[tilespmem:s14+$0x0] =	vst.add.f32.msk $0xffff, v1  }
0x17a: {  	v1 =	vld [tilespmem:s0+$0x30];
	_ =	sdelay $0x4  }
0x17b: {  	v1 =	vmul.f32 v1, v2;
	_ =	sdelay $0x1  }
0x17c: {  	[tilespmem:s15+$0x0] =	vst.add.f32.msk $0xffff, v1  }
0x17d: {  	v1 =	vld [tilespmem:s0+$0x40];
	_ =	sdelay $0x4  }
0x17e: {  	v1 =	vmul.f32 v1, v2;
	_ =	sdelay $0x1  }
0x17f: {  	[tilespmem:s16+$0x0] =	vst.add.f32.msk $0xffff, v1  }
0x180: {  	v1 =	vld [tilespmem:s0+$0x50];
	_ =	sdelay $0x4  }
0x181: {  	v1 =	vmul.f32 v1, v2;
	_ =	sdelay $0x1  }
0x182: {  	[tilespmem:s17+$0x0] =	vst.add.f32.msk $0xffff, v1  }
0x183: {  	v1 =	vld [tilespmem:s0+$0x60];
	_ =	sdelay $0x4  }
0x184: {  	v1 =	vmul.f32 v1, v2;
	_ =	sdelay $0x1  }
0x185: {  	[tilespmem:s18+$0x0] =	vst.add.f32.msk $0xffff, v1  }
0x186: {  	v1 =	vld [tilespmem:s0+$0x70];
	_ =	sdelay $0x4  }
0x187: {  	v1 =	vmul.f32 v1, v2;
	_ =	sdelay $0x1  }
0x188: {  	[tilespmem:s19+$0x0] =	vst.add.f32.msk $0xffff, v1  }
0x189: {  	v1 =	vld [tilespmem:s0+$0x400];
	_ =	sdelay $0x4  }
0x18a: {  	v1 =	vmul.f32 v1, v2;
	_ =	sdelay $0x1  }
0x18b: {  	[tilespmem:s20+$0x0] =	vst.add.f32.msk $0xffff, v1  }
0x18c: {  	v1 =	vld [tilespmem:s0+$0x410];
	_ =	sdelay $0x4  }
0x18d: {  	v1 =	vmul.f32 v1, v2;
	_ =	sdelay $0x1  }
0x18e: {  	[tilespmem:s21+$0x0] =	vst.add.f32.msk $0xffff, v1  }
0x18f: {  	v1 =	vld [tilespmem:s0+$0x420];
	_ =	sdelay $0x4  }
0x190: {  	v1 =	vmul.f32 v1, v2;
	_ =	sdelay $0x1  }
0x191: {  	[tilespmem:s22+$0x0] =	vst.add.f32.msk $0xffff, v1  }
0x192: {  	v1 =	vld [tilespmem:s0+$0x430];
	_ =	sdelay $0x4  }
0x193: {  	v1 =	vmul.f32 v1, v2;
	_ =	sdelay $0x1  }
0x194: {  	[tilespmem:s23+$0x0] =	vst.add.f32.msk $0xffff, v1  }
0x195: {  	v1 =	vld [tilespmem:s0+$0x440];
	_ =	sdelay $0x4  }
0x196: {  	v1 =	vmul.f32 v1, v2;
	_ =	sdelay $0x1  }
0x197: {  	[tilespmem:s24+$0x0] =	vst.add.f32.msk $0xffff, v1  }
0x198: {  	v1 =	vld [tilespmem:s0+$0x450];
	_ =	sdelay $0x4  }
0x199: {  	v1 =	vmul.f32 v1, v2;
	_ =	sdelay $0x1  }
0x19a: {  	[tilespmem:s25+$0x0] =	vst.add.f32.msk $0xffff, v1  }
0x19b: {  	v1 =	vld [tilespmem:s0+$0x460];
	_ =	sdelay $0x4  }
0x19c: {  	v1 =	vmul.f32 v1, v2;
	_ =	sdelay $0x1  }
0x19d: {  	[tilespmem:s26+$0x0] =	vst.add.f32.msk $0xffff, v1  }
0x19e: {  	v1 =	vld [tilespmem:s0+$0x470];
	_ =	sdelay $0x2  }
0x19f: {  	s4 =	simm.s32 $0x80;
	s5 =	sadd.s32 $0x100, s10;
	s2 =	smov.u32 s3  }
0x1a0: {  	s8 =	smov.u32 s7;
	[smem:$0x0] =	sst @!p0 s3;
	s2 =	smov.u32 @p0 s9  }
0x1a1: {  	s3 =	smov.u32 @p0 s9;
	s9 =	smov.u32 s2;
	s0 =	smov.u32 s6;
	v1 =	vmul.f32 v1, v2  }
.LBB2_13:
0x1a2: {  	s2 =	smov.u32 s9;
	s31 =	smov.u32 s3;
	s0 =	sadd.s32 $0x1, s0  }
0x1a3: {  	s8 =	sadd.s32 $0x1, s8;
	s11 =	smov.u32 s4;
	s4 =	sadd.s32 $0x80, s4;
	[tilespmem:s28+$0x0] =	vst.add.f32.msk $0xffff, v1  }
0x1a4: {  	p0 =	sne.s32 s4, $0x800;
	v1 =	vld [tilespmem:s8+$0x0];
	_ =	sdelay $0x4  }
0x1a5: {  	(v2sf) =	vpush v1, $0x0;
	_ =	sdelay $0xe  }
0x1a6: {  	s3 =	spop (v2sf)  }
0x1a7: {  	p1 =	seq.s32 s3, s31  }
0x1a8: {  	s9 =	sshll.u32 @!p1 s31, $0x8;
	s30 =	sshll.u32 @!p1 s31, $0x7  }
0x1a9: {  	v2 =	vld @!p1 [tilespmem:$0xC200];
	[smem:$0x0] =	sst @!p1 s3;
	s1 =	sand.u32 @!p1 $0xFFFFF800, s9;
	s9 =	smov.u32 s3  }
0x1aa: {  	s30 =	sand.u32 @!p1 $0x380, s30;
	s9 =	smov.u32 @p1 s2  }
0x1ab: {  	s3 =	smov.u32 @p1 s31;
	_ =	sdelay $0x1  }
0x1ac: {  	s2 =	sor.u32 @!p1 s30, s1;
	v1 =	vld [tilespmem:s0+$0x0]  }
0x1ad: {  	[tilespmem:s2+$0x8200] =	vst @!p1 v2  }
0x1ae: {  	v3 =	vld @!p1 [tilespmem:$0xC210];
	_ =	sdelay $0x2  }
0x1af: {  	v2 =	vimm.f32 @!p1 $0.0e+00  }
0x1b0: {  	[tilespmem:$0xC200] =	vst @!p1 v2  }
0x1b1: {  	[tilespmem:s2+$0x8210] =	vst @!p1 v3  }
0x1b2: {  	v3 =	vld @!p1 [tilespmem:$0xC220];
	_ =	sdelay $0x3  }
0x1b3: {  	[tilespmem:$0xC210] =	vst @!p1 v2  }
0x1b4: {  	[tilespmem:s2+$0x8220] =	vst @!p1 v3  }
0x1b5: {  	v3 =	vld @!p1 [tilespmem:$0xC230];
	_ =	sdelay $0x3  }
0x1b6: {  	[tilespmem:$0xC220] =	vst @!p1 v2  }
0x1b7: {  	[tilespmem:s2+$0x8230] =	vst @!p1 v3  }
0x1b8: {  	v3 =	vld @!p1 [tilespmem:$0xC240];
	_ =	sdelay $0x3  }
0x1b9: {  	[tilespmem:$0xC230] =	vst @!p1 v2  }
0x1ba: {  	[tilespmem:s2+$0x8240] =	vst @!p1 v3  }
0x1bb: {  	v3 =	vld @!p1 [tilespmem:$0xC250];
	_ =	sdelay $0x3  }
0x1bc: {  	[tilespmem:$0xC240] =	vst @!p1 v2  }
0x1bd: {  	[tilespmem:s2+$0x8250] =	vst @!p1 v3  }
0x1be: {  	v3 =	vld @!p1 [tilespmem:$0xC260];
	_ =	sdelay $0x3  }
0x1bf: {  	[tilespmem:$0xC250] =	vst @!p1 v2  }
0x1c0: {  	[tilespmem:s2+$0x8260] =	vst @!p1 v3  }
0x1c1: {  	v3 =	vld @!p1 [tilespmem:$0xC270];
	_ =	sdelay $0x3  }
0x1c2: {  	[tilespmem:$0xC260] =	vst @!p1 v2  }
0x1c3: {  	[tilespmem:s2+$0x8270] =	vst @!p1 v3  }
0x1c4: {  	v3 =	vld @!p1 [tilespmem:$0xC280];
	_ =	sdelay $0x3  }
0x1c5: {  	[tilespmem:$0xC270] =	vst @!p1 v2  }
0x1c6: {  	[tilespmem:s2+$0x8600] =	vst @!p1 v3  }
0x1c7: {  	v3 =	vld @!p1 [tilespmem:$0xC290];
	_ =	sdelay $0x3  }
0x1c8: {  	[tilespmem:$0xC280] =	vst @!p1 v2  }
0x1c9: {  	[tilespmem:s2+$0x8610] =	vst @!p1 v3  }
0x1ca: {  	v3 =	vld @!p1 [tilespmem:$0xC2A0];
	_ =	sdelay $0x3  }
0x1cb: {  	[tilespmem:$0xC290] =	vst @!p1 v2  }
0x1cc: {  	[tilespmem:s2+$0x8620] =	vst @!p1 v3  }
0x1cd: {  	v3 =	vld @!p1 [tilespmem:$0xC2B0];
	_ =	sdelay $0x3  }
0x1ce: {  	[tilespmem:$0xC2A0] =	vst @!p1 v2  }
0x1cf: {  	[tilespmem:s2+$0x8630] =	vst @!p1 v3  }
0x1d0: {  	v3 =	vld @!p1 [tilespmem:$0xC2C0];
	_ =	sdelay $0x3  }
0x1d1: {  	[tilespmem:$0xC2B0] =	vst @!p1 v2  }
0x1d2: {  	[tilespmem:s2+$0x8640] =	vst @!p1 v3  }
0x1d3: {  	v3 =	vld @!p1 [tilespmem:$0xC2D0];
	_ =	sdelay $0x3  }
0x1d4: {  	[tilespmem:$0xC2C0] =	vst @!p1 v2  }
0x1d5: {  	[tilespmem:s2+$0x8650] =	vst @!p1 v3  }
0x1d6: {  	v3 =	vld @!p1 [tilespmem:$0xC2E0];
	_ =	sdelay $0x3  }
0x1d7: {  	[tilespmem:$0xC2D0] =	vst @!p1 v2  }
0x1d8: {  	[tilespmem:s2+$0x8660] =	vst @!p1 v3  }
0x1d9: {  	v3 =	vld @!p1 [tilespmem:$0xC2F0];
	_ =	sdelay $0x3  }
0x1da: {  	[tilespmem:$0xC2E0] =	vst @!p1 v2  }
0x1db: {  	s1 =	sand.u32 $0x7800, s5;
	[tilespmem:s2+$0x8670] =	vst @!p1 v3;
	s2 =	sand.u32 $0x380, s11  }
0x1dc: {  	[tilespmem:$0xC2F0] =	vst @!p1 v2;
	s11 =	sor.u32 s2, s1  }
0x1dd: {  	v2 =	vld [tilespmem:s11+$0x0];
	_ =	sdelay $0x2  }
0x1de: {  	v1 =	vbroadcast v1, $0x0;
	_ =	sdelay $0x1  }
0x1df: {  	v2 =	vmul.f32 v2, v1;
	_ =	sdelay $0x1  }
0x1e0: {  	[tilespmem:s12+$0x0] =	vst.add.f32.msk $0xffff, v2  }
0x1e1: {  	v2 =	vld [tilespmem:s11+$0x10];
	_ =	sdelay $0x4  }
0x1e2: {  	v2 =	vmul.f32 v2, v1;
	_ =	sdelay $0x1  }
0x1e3: {  	[tilespmem:s13+$0x0] =	vst.add.f32.msk $0xffff, v2  }
0x1e4: {  	v2 =	vld [tilespmem:s11+$0x20];
	_ =	sdelay $0x4  }
0x1e5: {  	v2 =	vmul.f32 v2, v1;
	_ =	sdelay $0x1  }
0x1e6: {  	[tilespmem:s14+$0x0] =	vst.add.f32.msk $0xffff, v2  }
0x1e7: {  	v2 =	vld [tilespmem:s11+$0x30];
	_ =	sdelay $0x4  }
0x1e8: {  	v2 =	vmul.f32 v2, v1;
	_ =	sdelay $0x1  }
0x1e9: {  	[tilespmem:s15+$0x0] =	vst.add.f32.msk $0xffff, v2  }
0x1ea: {  	v2 =	vld [tilespmem:s11+$0x40];
	_ =	sdelay $0x4  }
0x1eb: {  	v2 =	vmul.f32 v2, v1;
	_ =	sdelay $0x1  }
0x1ec: {  	[tilespmem:s16+$0x0] =	vst.add.f32.msk $0xffff, v2  }
0x1ed: {  	v2 =	vld [tilespmem:s11+$0x50];
	_ =	sdelay $0x4  }
0x1ee: {  	v2 =	vmul.f32 v2, v1;
	_ =	sdelay $0x1  }
0x1ef: {  	[tilespmem:s17+$0x0] =	vst.add.f32.msk $0xffff, v2  }
0x1f0: {  	v2 =	vld [tilespmem:s11+$0x60];
	_ =	sdelay $0x4  }
0x1f1: {  	v2 =	vmul.f32 v2, v1;
	_ =	sdelay $0x1  }
0x1f2: {  	[tilespmem:s18+$0x0] =	vst.add.f32.msk $0xffff, v2  }
0x1f3: {  	v2 =	vld [tilespmem:s11+$0x70];
	_ =	sdelay $0x4  }
0x1f4: {  	v2 =	vmul.f32 v2, v1;
	_ =	sdelay $0x1  }
0x1f5: {  	[tilespmem:s19+$0x0] =	vst.add.f32.msk $0xffff, v2  }
0x1f6: {  	v2 =	vld [tilespmem:s11+$0x400];
	_ =	sdelay $0x4  }
0x1f7: {  	v2 =	vmul.f32 v2, v1;
	_ =	sdelay $0x1  }
0x1f8: {  	[tilespmem:s20+$0x0] =	vst.add.f32.msk $0xffff, v2  }
0x1f9: {  	v2 =	vld [tilespmem:s11+$0x410];
	_ =	sdelay $0x4  }
0x1fa: {  	v2 =	vmul.f32 v2, v1;
	_ =	sdelay $0x1  }
0x1fb: {  	[tilespmem:s21+$0x0] =	vst.add.f32.msk $0xffff, v2  }
0x1fc: {  	v2 =	vld [tilespmem:s11+$0x420];
	_ =	sdelay $0x4  }
0x1fd: {  	v2 =	vmul.f32 v2, v1;
	_ =	sdelay $0x1  }
0x1fe: {  	[tilespmem:s22+$0x0] =	vst.add.f32.msk $0xffff, v2  }
0x1ff: {  	v2 =	vld [tilespmem:s11+$0x430];
	_ =	sdelay $0x4  }
0x200: {  	v2 =	vmul.f32 v2, v1;
	_ =	sdelay $0x1  }
0x201: {  	[tilespmem:s23+$0x0] =	vst.add.f32.msk $0xffff, v2  }
0x202: {  	v2 =	vld [tilespmem:s11+$0x440];
	_ =	sdelay $0x4  }
0x203: {  	v2 =	vmul.f32 v2, v1;
	_ =	sdelay $0x1  }
0x204: {  	[tilespmem:s24+$0x0] =	vst.add.f32.msk $0xffff, v2  }
0x205: {  	v2 =	vld [tilespmem:s11+$0x450];
	_ =	sdelay $0x4  }
0x206: {  	v2 =	vmul.f32 v2, v1;
	_ =	sdelay $0x1  }
0x207: {  	[tilespmem:s25+$0x0] =	vst.add.f32.msk $0xffff, v2  }
0x208: {  	v2 =	vld [tilespmem:s11+$0x460];
	_ =	sdelay $0x4  }
0x209: {  	v2 =	vmul.f32 v2, v1;
	_ =	sdelay $0x1  }
0x20a: {  	[tilespmem:s26+$0x0] =	vst.add.f32.msk $0xffff, v2  }
0x20b: {  	v2 =	vld [tilespmem:s11+$0x470];
	_ =	sdelay $0x1  }
.Ltmp11:
0x20c: {  	(pc) =	sbr.rel @p0 .LBB2_13-.Ltmp11, $3  }
0x20d: {  	_ =	sdelay $0x1  }
0x20e: {  	v1 =	vmul.f32 v2, v1  }
0x20f: {  	s5 =	sadd.s32 $0x100, s5  }
.Ltmp12:
0x210: {  	_ = 	snop;
	(pc) =	sbr.rel .LBB2_14-.Ltmp12, $1  }
0x211: {  	_ =	sdelay $0x3  }
.LBB2_17:
0x212: {  	_ =	sfence.sel $0x180000  }
0x213: {  	[bflag:$0x0] =	sbarrier.arrive $0xFFFF  }
0x214: {  	_ =	strace $0x90000047  }
0x215: {  	s0 =	stileid.u32;
	[bflag:$0x2] =	sbarrier.arrive $0xFFFF  }
0x216: {  	p0 =	sne.s32 s0, $0x0;
	s0 =	rddreg [dreg:$0x4]  }
0x217: {  	s0 =	sadd.s32 @!p0 $0x100000, s0  }
0x218: {  	[sflag:s0] =	ssyncadd.tile.s32 @!p0 $0x1;
	_ =	shalt  }
.Lfunc_end2:
_tile_overlayer_lowered:
.L_overlay_start_2:
0x219: {  	(tag) =	ssettag $0x2  }
0x21a: {  	s0 =	rddreg [dreg:$0x0];
	s2 =	stileid.u32  }
0x21b: {  	s1 =	rddreg [dreg:$0x1];
	p0 =	sne.s32 s2, $0x0  }
0x21c: {  	s3 =	rddreg [dreg:$0x2];
	[bflag:$0x3] =	sbarrier.arrive $0xFFFF;
	s2 =	simm.s32 @!p0 $0x1C02  }
0x21d: {  	[timem:s3], [sflag:s2] =	dma.local @!p0 [hbm:s0], s1  }
0x21e: {  	s0 =	simm.s32 @!p0 $0x2  }
0x21f: {  	_ =	swait.ge @!p0 [sflag:s0], s1  }
0x220: {  	s1 =	ssub.s32 @!p0 $0x0, s1;
	[sflag:s0] =	ssyncset.done @!p0 $0x0  }
0x221: {  	[sflag:s0] =	ssyncadd.s32 @!p0 s1  }
0x222: {  	[bflag:$0x3] =	sbarrier.arrive $0xFFFF  }
0x223: {  	_ =	shalt  }

</sc_bundles>
